<compile_context>
chip_gen: v7x
topology: tpu7x:2x2x1
jax: 0.10.2.dev20260603
libtpu: 0.0.44.dev20260713+nightly
codegen_flags: <defaults>
</compile_context>

<pallas_src>
import functools

import jax
import jax.numpy as jnp
from jax import lax
from jax.experimental import pallas as pl
from jax.experimental.pallas import tpu as pltpu
from jax.experimental.pallas import tpu_sc as plsc

_D = 64
_NW = 32
_S = 256
_CHUNK = 128


@functools.cache
def _make_gather(n_xrows: int, n_cols: int, n_var: int):
    r_per_w = n_xrows // _NW
    n_s = r_per_w // _S
    n_ch = _S // _CHUNK
    assert n_s == 2 and _S % _CHUNK == 0 and _CHUNK % 8 == 0
    mesh = plsc.VectorSubcoreMesh(core_axis_name="c", subcore_axis_name="s")

    @functools.partial(
        pl.kernel,
        mesh=mesh,
        out_type=jax.ShapeDtypeStruct((n_cols, _D, n_xrows), jnp.float32),
        scratch_types=[
            pltpu.VMEM((n_cols, r_per_w), jnp.int32),
            pltpu.VMEM((2, _S, _D), jnp.float32),
            pltpu.VMEM((2, _D, _S + 1), jnp.float32),
            pltpu.SemaphoreType.DMA,
            pltpu.SemaphoreType.DMA,
            pltpu.SemaphoreType.DMA,
            pltpu.SemaphoreType.DMA,
        ],
        compiler_params=pltpu.CompilerParams(
            use_tc_tiling_on_sc=False, needs_layout_passes=False),
    )
    def gather_kernel(xt_hbm, table_hbm, out_hbm,
                      idx_v, src_v, dst_v, gsem0, gsem1, wsem0, wsem1):
        wid = lax.axis_index("s") * 2 + lax.axis_index("c")
        i0_w = wid * r_per_w
        pltpu.sync_copy(xt_hbm.at[:, pl.ds(i0_w, r_per_w)], idx_v)

        gsems = (gsem0, gsem1)
        wsems = (wsem0, wsem1)
        dvecs = [lax.iota(jnp.int32, 16) + db * 16 for db in range(_D // 16)]

        def gather_copy(j, s, c):
            return pltpu.make_async_copy(
                table_hbm.at[idx_v.at[j, pl.ds(s * _S + c * _CHUNK, _CHUNK)]],
                src_v.at[s].at[pl.ds(c * _CHUNK, _CHUNK)], gsems[s])

        def fire_g(j, s):
            for c in range(n_ch):
                gather_copy(j, s, c).start()

        def drain_g(j, s):
            for c in range(n_ch):
                gather_copy(j, s, c).wait()

        def write_copy(j, s):
            return pltpu.make_async_copy(
                dst_v.at[s].at[:, pl.ds(0, _S)],
                out_hbm.at[j, :, pl.ds(i0_w + s * _S, _S)], wsems[s])

        def transpose(h):
            @plsc.parallel_loop(0, _S, unroll=2)
            def ibody(i):
                isplat = jnp.full((16,), 0, jnp.int32) + i
                for db in range(_D // 16):
                    v = src_v[h, i, pl.ds(db * 16, 16)]
                    plsc.store_scatter(dst_v.at[h], [dvecs[db], isplat], v)

        fire_g(0, 0)
        fire_g(0, 1)
        drain_g(0, 0)
        transpose(0)
        write_copy(0, 0).start()
        fire_g(1, 0)
        drain_g(0, 1)
        transpose(1)
        write_copy(0, 1).start()

        def body(j, carry):
            write_copy(j - 1, 0).wait()
            fire_g(j, 1)
            drain_g(j, 0)
            transpose(0)
            write_copy(j - 1, 1).wait()
            write_copy(j, 0).start()
            fire_g(j + 1, 0)
            drain_g(j, 1)
            transpose(1)
            write_copy(j, 1).start()
            return carry

        lax.fori_loop(1, n_cols - 1, body, 0)

        jl = n_cols - 1
        write_copy(jl - 1, 0).wait()
        fire_g(jl, 1)
        drain_g(jl, 0)
        transpose(0)
        write_copy(jl - 1, 1).wait()
        write_copy(jl, 0).start()
        drain_g(jl, 1)
        transpose(1)
        write_copy(jl, 1).start()
        write_copy(jl, 0).wait()
        write_copy(jl, 1).wait()

    return gather_kernel


def kernel(x, table):
    n_xrows, n_cols = x.shape
    xt = jnp.transpose(x.astype(jnp.int32))
    out_t = _make_gather(n_xrows, n_cols, table.shape[0])(xt, table)
    return jnp.transpose(out_t, (2, 0, 1))

# --- scband reference (transcript-rebuilt; emitter-appended) ---
"""Pipeline reference for scband-variable-embedding-11355893530798 (READ-ONLY COPY).

The authoritative reference and input builder live on the scoring server;
editing this copy changes nothing except your own understanding.
"""

import jax, jax.numpy as jnp
import numpy as np

N_VAR = 100000
D_MODEL = 64

def setup_inputs(seed: int = 0) -> dict:
    key = jax.random.key(seed)
    k1, k2 = jax.random.split(key)
    x = jax.random.randint(k1, (16384, 26), 0, N_VAR, dtype=jnp.int64)
    # embedding table (learned parameter), initialized like nn.Embedding: N(0,1)
    table = jax.random.normal(k2, (N_VAR, D_MODEL), dtype=jnp.float32)
    return {"x": x, "table": table}

def reference(x, table):
    # VariableEmbedding.forward: embedding lookup of variable indices
    return jnp.take(table, x, axis=0)

if __name__ == "__main__":
    import jax
    _d = setup_inputs()
    print(jax.jit(kernel)(*tuple(_d.values())))

</pallas_src>

<mosaic_0001>
#map = affine_map<(d0, d1) -> (0, 0)>
#map1 = affine_map<(d0, d1) -> (0, 0, 0)>
module attributes {stable_mosaic.version = 14 : i64} {
  func.func @gather_kernel(%arg0: i32, %arg1: i32, %arg2: memref<26x16384xi32, #tpu.memory_space<hbm>>, %arg3: memref<100000x64xf32, #tpu.memory_space<hbm>>, %arg4: memref<26x64x16384xf32, #tpu.memory_space<hbm>>, %arg5: memref<26x512xi32, #tpu.memory_space<vmem>>, %arg6: memref<2x256x64xf32, #tpu.memory_space<vmem>>, %arg7: memref<2x64x257xf32, #tpu.memory_space<vmem>>, %arg8: memref<!tpu.dma_semaphore, #tpu.memory_space<semaphore_mem>>, %arg9: memref<!tpu.dma_semaphore, #tpu.memory_space<semaphore_mem>>, %arg10: memref<!tpu.dma_semaphore, #tpu.memory_space<semaphore_mem>>, %arg11: memref<!tpu.dma_semaphore, #tpu.memory_space<semaphore_mem>>) attributes {dimension_semantics = [#tpu.dimension_semantics<core_parallel>, #tpu.dimension_semantics<subcore_parallel>], iteration_bounds = array<i64: 2, 16>, scalar_prefetch = 0 : i64, scratch_operands = 7 : i64, tpu.core_type = #tpu.core_type<sc_vector_subcore>, window_params = [{transform_indices = #map}, {transform_indices = #map}, {transform_indices = #map1}]} {
    %mul3A = arith.constant 2 : i32
    %mul3A_0 = arith.muli %arg1, %mul3A : i32
    %add3A = arith.addi %mul3A_0, %arg0 : i32
    %mul3A_1 = arith.constant 512 : i32
    %mul3A_2 = arith.muli %add3A, %mul3A_1 : i32
    "tpu.region"() ({
      %run_scoped3A = tpu.sem_alloc : memref<!tpu.dma_semaphore, #tpu.memory_space<semaphore_mem>>
      %dma_start3A_464 = arith.constant 0 : i32
      %dma_start3A_465 = tpu.memref_slice %arg2[%dma_start3A_464, %mul3A_2] : memref<26x16384xi32, #tpu.memory_space<hbm>> -> memref<26x512xi32, #tpu.memory_space<hbm>>
      %dma_start3A_466 = arith.constant 0 : i32
      %dma_start3A_467 = tpu.memref_slice %arg2[%dma_start3A_466, %mul3A_2] : memref<26x16384xi32, #tpu.memory_space<hbm>> -> memref<26x512xi32, #tpu.memory_space<hbm>>
      tpu.enqueue_dma source(%dma_start3A_467 : memref<26x512xi32, #tpu.memory_space<hbm>>) target(%arg5 : memref<26x512xi32, #tpu.memory_space<vmem>>) target_semaphore(%run_scoped3A : memref<!tpu.dma_semaphore, #tpu.memory_space<semaphore_mem>>)
      %dma_wait3A_468 = arith.constant 0 : i32
      %dma_wait3A_469 = tpu.memref_slice %arg2[%dma_wait3A_468, %mul3A_2] : memref<26x16384xi32, #tpu.memory_space<hbm>> -> memref<26x512xi32, #tpu.memory_space<hbm>>
      %dma_wait3A_470 = arith.constant 0 : i32
      %dma_wait3A_471 = tpu.memref_slice %arg2[%dma_wait3A_470, %mul3A_2] : memref<26x16384xi32, #tpu.memory_space<hbm>> -> memref<26x512xi32, #tpu.memory_space<hbm>>
      tpu.wait_dma2 semaphore(%run_scoped3A : memref<!tpu.dma_semaphore, #tpu.memory_space<semaphore_mem>>) src(%dma_wait3A_471 : memref<26x512xi32, #tpu.memory_space<hbm>>) dst(%arg5 : memref<26x512xi32, #tpu.memory_space<vmem>>)
      tpu.yield
    }) : () -> ()
    %iota3A = tpu.iota {dimensions = array<i32: 0>} : vector<16xi32>
    %add3A_3 = arith.constant 0 : i32
    %add3A_4 = vector.broadcast %add3A_3 : i32 to vector<16xi32>
    %add3A_5 = arith.addi %iota3A, %add3A_4 : vector<16xi32>
    %iota3A_6 = tpu.iota {dimensions = array<i32: 0>} : vector<16xi32>
    %add3A_7 = arith.constant 16 : i32
    %add3A_8 = vector.broadcast %add3A_7 : i32 to vector<16xi32>
    %add3A_9 = arith.addi %iota3A_6, %add3A_8 : vector<16xi32>
    %iota3A_10 = tpu.iota {dimensions = array<i32: 0>} : vector<16xi32>
    %add3A_11 = arith.constant 32 : i32
    %add3A_12 = vector.broadcast %add3A_11 : i32 to vector<16xi32>
    %add3A_13 = arith.addi %iota3A_10, %add3A_12 : vector<16xi32>
    %iota3A_14 = tpu.iota {dimensions = array<i32: 0>} : vector<16xi32>
    %add3A_15 = arith.constant 48 : i32
    %add3A_16 = vector.broadcast %add3A_15 : i32 to vector<16xi32>
    %add3A_17 = arith.addi %iota3A_14, %add3A_16 : vector<16xi32>
    %dma_start3A = arith.constant 0 : i32
    %dma_start3A_18 = arith.constant 0 : i32
    %dma_start3A_19 = arith.constant 0 : i32
    %dma_start3A_20 = arith.constant 0 : i32
    %dma_start3A_21 = tpu.memref_slice %arg6[%dma_start3A_18, %dma_start3A_19, %dma_start3A_20] : memref<2x256x64xf32, #tpu.memory_space<vmem>> -> memref<1x256x64xf32, #tpu.memory_space<vmem>>
    %dma_start3A_22 = tpu.memref_squeeze %dma_start3A_21 : memref<1x256x64xf32, #tpu.memory_space<vmem>> -> memref<256x64xf32, #tpu.memory_space<vmem>>
    %dma_start3A_23 = arith.constant 0 : i32
    %dma_start3A_24 = arith.constant 0 : i32
    %dma_start3A_25 = tpu.memref_slice %dma_start3A_22[%dma_start3A_23, %dma_start3A_24] : memref<256x64xf32, #tpu.memory_space<vmem>> -> memref<128x64xf32, #tpu.memory_space<vmem>>
    %dma_start3A_26 = arith.constant 0 : i32
    %dma_start3A_27 = tpu.memref_slice %arg5[%dma_start3A, %dma_start3A_26] : memref<26x512xi32, #tpu.memory_space<vmem>> -> memref<1x128xi32, #tpu.memory_space<vmem>>
    %dma_start3A_28 = tpu.memref_squeeze %dma_start3A_27 : memref<1x128xi32, #tpu.memory_space<vmem>> -> memref<128xi32, #tpu.memory_space<vmem>>
    %dma_start3A_29 = arith.constant 0 : i32
    %dma_start3A_30 = arith.constant 0 : i32
    %dma_start3A_31 = tpu.memref_slice %arg3[%dma_start3A_29, %dma_start3A_30] : memref<100000x64xf32, #tpu.memory_space<hbm>> -> memref<100000x64xf32, #tpu.memory_space<hbm>>
    tpu.enqueue_indirect_dma source(%dma_start3A_31 : memref<100000x64xf32, #tpu.memory_space<hbm>>) target(%dma_start3A_25 : memref<128x64xf32, #tpu.memory_space<vmem>>) offsets(%dma_start3A_28 : memref<128xi32, #tpu.memory_space<vmem>>) semaphore(%arg8 : memref<!tpu.dma_semaphore, #tpu.memory_space<semaphore_mem>>)
    %dma_start3A_32 = arith.constant 0 : i32
    %dma_start3A_33 = arith.constant 0 : i32
    %dma_start3A_34 = arith.constant 0 : i32
    %dma_start3A_35 = arith.constant 0 : i32
    %dma_start3A_36 = tpu.memref_slice %arg6[%dma_start3A_33, %dma_start3A_34, %dma_start3A_35] : memref<2x256x64xf32, #tpu.memory_space<vmem>> -> memref<1x256x64xf32, #tpu.memory_space<vmem>>
    %dma_start3A_37 = tpu.memref_squeeze %dma_start3A_36 : memref<1x256x64xf32, #tpu.memory_space<vmem>> -> memref<256x64xf32, #tpu.memory_space<vmem>>
    %dma_start3A_38 = arith.constant 128 : i32
    %dma_start3A_39 = arith.constant 0 : i32
    %dma_start3A_40 = tpu.memref_slice %dma_start3A_37[%dma_start3A_38, %dma_start3A_39] : memref<256x64xf32, #tpu.memory_space<vmem>> -> memref<128x64xf32, #tpu.memory_space<vmem>>
    %dma_start3A_41 = arith.constant 128 : i32
    %dma_start3A_42 = tpu.memref_slice %arg5[%dma_start3A_32, %dma_start3A_41] : memref<26x512xi32, #tpu.memory_space<vmem>> -> memref<1x128xi32, #tpu.memory_space<vmem>>
    %dma_start3A_43 = tpu.memref_squeeze %dma_start3A_42 : memref<1x128xi32, #tpu.memory_space<vmem>> -> memref<128xi32, #tpu.memory_space<vmem>>
    %dma_start3A_44 = arith.constant 0 : i32
    %dma_start3A_45 = arith.constant 0 : i32
    %dma_start3A_46 = tpu.memref_slice %arg3[%dma_start3A_44, %dma_start3A_45] : memref<100000x64xf32, #tpu.memory_space<hbm>> -> memref<100000x64xf32, #tpu.memory_space<hbm>>
    tpu.enqueue_indirect_dma source(%dma_start3A_46 : memref<100000x64xf32, #tpu.memory_space<hbm>>) target(%dma_start3A_40 : memref<128x64xf32, #tpu.memory_space<vmem>>) offsets(%dma_start3A_43 : memref<128xi32, #tpu.memory_space<vmem>>) semaphore(%arg8 : memref<!tpu.dma_semaphore, #tpu.memory_space<semaphore_mem>>)
    %dma_start3A_47 = arith.constant 0 : i32
    %dma_start3A_48 = arith.constant 1 : i32
    %dma_start3A_49 = arith.constant 0 : i32
    %dma_start3A_50 = arith.constant 0 : i32
    %dma_start3A_51 = tpu.memref_slice %arg6[%dma_start3A_48, %dma_start3A_49, %dma_start3A_50] : memref<2x256x64xf32, #tpu.memory_space<vmem>> -> memref<1x256x64xf32, #tpu.memory_space<vmem>>
    %dma_start3A_52 = tpu.memref_squeeze %dma_start3A_51 : memref<1x256x64xf32, #tpu.memory_space<vmem>> -> memref<256x64xf32, #tpu.memory_space<vmem>>
    %dma_start3A_53 = arith.constant 0 : i32
    %dma_start3A_54 = arith.constant 0 : i32
    %dma_start3A_55 = tpu.memref_slice %dma_start3A_52[%dma_start3A_53, %dma_start3A_54] : memref<256x64xf32, #tpu.memory_space<vmem>> -> memref<128x64xf32, #tpu.memory_space<vmem>>
    %dma_start3A_56 = arith.constant 256 : i32
    %dma_start3A_57 = tpu.memref_slice %arg5[%dma_start3A_47, %dma_start3A_56] : memref<26x512xi32, #tpu.memory_space<vmem>> -> memref<1x128xi32, #tpu.memory_space<vmem>>
    %dma_start3A_58 = tpu.memref_squeeze %dma_start3A_57 : memref<1x128xi32, #tpu.memory_space<vmem>> -> memref<128xi32, #tpu.memory_space<vmem>>
    %dma_start3A_59 = arith.constant 0 : i32
    %dma_start3A_60 = arith.constant 0 : i32
    %dma_start3A_61 = tpu.memref_slice %arg3[%dma_start3A_59, %dma_start3A_60] : memref<100000x64xf32, #tpu.memory_space<hbm>> -> memref<100000x64xf32, #tpu.memory_space<hbm>>
    tpu.enqueue_indirect_dma source(%dma_start3A_61 : memref<100000x64xf32, #tpu.memory_space<hbm>>) target(%dma_start3A_55 : memref<128x64xf32, #tpu.memory_space<vmem>>) offsets(%dma_start3A_58 : memref<128xi32, #tpu.memory_space<vmem>>) semaphore(%arg9 : memref<!tpu.dma_semaphore, #tpu.memory_space<semaphore_mem>>)
    %dma_start3A_62 = arith.constant 0 : i32
    %dma_start3A_63 = arith.constant 1 : i32
    %dma_start3A_64 = arith.constant 0 : i32
    %dma_start3A_65 = arith.constant 0 : i32
    %dma_start3A_66 = tpu.memref_slice %arg6[%dma_start3A_63, %dma_start3A_64, %dma_start3A_65] : memref<2x256x64xf32, #tpu.memory_space<vmem>> -> memref<1x256x64xf32, #tpu.memory_space<vmem>>
    %dma_start3A_67 = tpu.memref_squeeze %dma_start3A_66 : memref<1x256x64xf32, #tpu.memory_space<vmem>> -> memref<256x64xf32, #tpu.memory_space<vmem>>
    %dma_start3A_68 = arith.constant 128 : i32
    %dma_start3A_69 = arith.constant 0 : i32
    %dma_start3A_70 = tpu.memref_slice %dma_start3A_67[%dma_start3A_68, %dma_start3A_69] : memref<256x64xf32, #tpu.memory_space<vmem>> -> memref<128x64xf32, #tpu.memory_space<vmem>>
    %dma_start3A_71 = arith.constant 384 : i32
    %dma_start3A_72 = tpu.memref_slice %arg5[%dma_start3A_62, %dma_start3A_71] : memref<26x512xi32, #tpu.memory_space<vmem>> -> memref<1x128xi32, #tpu.memory_space<vmem>>
    %dma_start3A_73 = tpu.memref_squeeze %dma_start3A_72 : memref<1x128xi32, #tpu.memory_space<vmem>> -> memref<128xi32, #tpu.memory_space<vmem>>
    %dma_start3A_74 = arith.constant 0 : i32
    %dma_start3A_75 = arith.constant 0 : i32
    %dma_start3A_76 = tpu.memref_slice %arg3[%dma_start3A_74, %dma_start3A_75] : memref<100000x64xf32, #tpu.memory_space<hbm>> -> memref<100000x64xf32, #tpu.memory_space<hbm>>
    tpu.enqueue_indirect_dma source(%dma_start3A_76 : memref<100000x64xf32, #tpu.memory_space<hbm>>) target(%dma_start3A_70 : memref<128x64xf32, #tpu.memory_space<vmem>>) offsets(%dma_start3A_73 : memref<128xi32, #tpu.memory_space<vmem>>) semaphore(%arg9 : memref<!tpu.dma_semaphore, #tpu.memory_space<semaphore_mem>>)
    %dma_wait3A = arith.constant 0 : i32
    %dma_wait3A_77 = arith.constant 0 : i32
    %dma_wait3A_78 = arith.constant 0 : i32
    %dma_wait3A_79 = arith.constant 0 : i32
    %dma_wait3A_80 = tpu.memref_slice %arg6[%dma_wait3A_77, %dma_wait3A_78, %dma_wait3A_79] : memref<2x256x64xf32, #tpu.memory_space<vmem>> -> memref<1x256x64xf32, #tpu.memory_space<vmem>>
    %dma_wait3A_81 = tpu.memref_squeeze %dma_wait3A_80 : memref<1x256x64xf32, #tpu.memory_space<vmem>> -> memref<256x64xf32, #tpu.memory_space<vmem>>
    %dma_wait3A_82 = arith.constant 0 : i32
    %dma_wait3A_83 = arith.constant 0 : i32
    %dma_wait3A_84 = tpu.memref_slice %dma_wait3A_81[%dma_wait3A_82, %dma_wait3A_83] : memref<256x64xf32, #tpu.memory_space<vmem>> -> memref<128x64xf32, #tpu.memory_space<vmem>>
    %dma_wait3A_85 = arith.constant 0 : i32
    %dma_wait3A_86 = tpu.memref_slice %arg5[%dma_wait3A, %dma_wait3A_85] : memref<26x512xi32, #tpu.memory_space<vmem>> -> memref<1x128xi32, #tpu.memory_space<vmem>>
    %dma_wait3A_87 = tpu.memref_squeeze %dma_wait3A_86 : memref<1x128xi32, #tpu.memory_space<vmem>> -> memref<128xi32, #tpu.memory_space<vmem>>
    %dma_wait3A_88 = arith.constant 0 : i32
    %dma_wait3A_89 = arith.constant 0 : i32
    %dma_wait3A_90 = tpu.memref_slice %arg3[%dma_wait3A_88, %dma_wait3A_89] : memref<100000x64xf32, #tpu.memory_space<hbm>> -> memref<100000x64xf32, #tpu.memory_space<hbm>>
    tpu.wait_indirect_dma semaphore(%arg8 : memref<!tpu.dma_semaphore, #tpu.memory_space<semaphore_mem>>) src(%dma_wait3A_90 : memref<100000x64xf32, #tpu.memory_space<hbm>>) dst(%dma_wait3A_84 : memref<128x64xf32, #tpu.memory_space<vmem>>)
    %dma_wait3A_91 = arith.constant 0 : i32
    %dma_wait3A_92 = arith.constant 0 : i32
    %dma_wait3A_93 = arith.constant 0 : i32
    %dma_wait3A_94 = arith.constant 0 : i32
    %dma_wait3A_95 = tpu.memref_slice %arg6[%dma_wait3A_92, %dma_wait3A_93, %dma_wait3A_94] : memref<2x256x64xf32, #tpu.memory_space<vmem>> -> memref<1x256x64xf32, #tpu.memory_space<vmem>>
    %dma_wait3A_96 = tpu.memref_squeeze %dma_wait3A_95 : memref<1x256x64xf32, #tpu.memory_space<vmem>> -> memref<256x64xf32, #tpu.memory_space<vmem>>
    %dma_wait3A_97 = arith.constant 128 : i32
    %dma_wait3A_98 = arith.constant 0 : i32
    %dma_wait3A_99 = tpu.memref_slice %dma_wait3A_96[%dma_wait3A_97, %dma_wait3A_98] : memref<256x64xf32, #tpu.memory_space<vmem>> -> memref<128x64xf32, #tpu.memory_space<vmem>>
    %dma_wait3A_100 = arith.constant 128 : i32
    %dma_wait3A_101 = tpu.memref_slice %arg5[%dma_wait3A_91, %dma_wait3A_100] : memref<26x512xi32, #tpu.memory_space<vmem>> -> memref<1x128xi32, #tpu.memory_space<vmem>>
    %dma_wait3A_102 = tpu.memref_squeeze %dma_wait3A_101 : memref<1x128xi32, #tpu.memory_space<vmem>> -> memref<128xi32, #tpu.memory_space<vmem>>
    %dma_wait3A_103 = arith.constant 0 : i32
    %dma_wait3A_104 = arith.constant 0 : i32
    %dma_wait3A_105 = tpu.memref_slice %arg3[%dma_wait3A_103, %dma_wait3A_104] : memref<100000x64xf32, #tpu.memory_space<hbm>> -> memref<100000x64xf32, #tpu.memory_space<hbm>>
    tpu.wait_indirect_dma semaphore(%arg8 : memref<!tpu.dma_semaphore, #tpu.memory_space<semaphore_mem>>) src(%dma_wait3A_105 : memref<100000x64xf32, #tpu.memory_space<hbm>>) dst(%dma_wait3A_99 : memref<128x64xf32, #tpu.memory_space<vmem>>)
    %parallel_loop3A = arith.constant 0 : i32
    %parallel_loop3A_106 = arith.constant 256 : i32
    %parallel_loop3A_107 = arith.constant 1 : i32
    scf.for %parallel_loop3A_464 = %parallel_loop3A to %parallel_loop3A_106 step %parallel_loop3A_107  : i32 {
      %parallel_loop3A_465 = arith.constant 0 : i32
      %parallel_loop3A_466 = vector.broadcast %parallel_loop3A_465 : i32 to vector<16xi32>
      %parallel_loop3A_467 = vector.broadcast %parallel_loop3A_464 : i32 to vector<16xi32>
      %parallel_loop3A_468 = arith.addi %parallel_loop3A_466, %parallel_loop3A_467 : vector<16xi32>
      %parallel_loop3A_469 = arith.constant 0 : i32
      %parallel_loop3A_470 = arith.index_cast %parallel_loop3A_469 : i32 to index
      %parallel_loop3A_471 = arith.index_cast %parallel_loop3A_464 : i32 to index
      %parallel_loop3A_472 = arith.constant 0 : index
      %parallel_loop3A_473 = tpu.vector_load %arg6[%parallel_loop3A_470, %parallel_loop3A_471, %parallel_loop3A_472] {strides = array<i32>} : memref<2x256x64xf32, #tpu.memory_space<vmem>>, vector<16xf32>,
      %parallel_loop3A_474 = arith.constant 0 : i32
      %parallel_loop3A_475 = arith.constant 0 : i32
      %parallel_loop3A_476 = arith.constant 0 : i32
      %parallel_loop3A_477 = tpu.memref_slice %arg7[%parallel_loop3A_474, %parallel_loop3A_475, %parallel_loop3A_476] : memref<2x64x257xf32, #tpu.memory_space<vmem>> -> memref<1x64x257xf32, #tpu.memory_space<vmem>>
      %parallel_loop3A_478 = tpu.memref_squeeze %parallel_loop3A_477 : memref<1x64x257xf32, #tpu.memory_space<vmem>> -> memref<64x257xf32, #tpu.memory_space<vmem>>
      tpu.vector_store_idx %parallel_loop3A_478[%add3A_5, %parallel_loop3A_468], %parallel_loop3A_473 : memref<64x257xf32, #tpu.memory_space<vmem>>[vector<16xi32>, vector<16xi32>], vector<16xf32>,
      %parallel_loop3A_479 = arith.constant 0 : i32
      %parallel_loop3A_480 = arith.index_cast %parallel_loop3A_479 : i32 to index
      %parallel_loop3A_481 = arith.index_cast %parallel_loop3A_464 : i32 to index
      %parallel_loop3A_482 = arith.constant 16 : index
      %parallel_loop3A_483 = tpu.vector_load %arg6[%parallel_loop3A_480, %parallel_loop3A_481, %parallel_loop3A_482] {strides = array<i32>} : memref<2x256x64xf32, #tpu.memory_space<vmem>>, vector<16xf32>,
      %parallel_loop3A_484 = arith.constant 0 : i32
      %parallel_loop3A_485 = arith.constant 0 : i32
      %parallel_loop3A_486 = arith.constant 0 : i32
      %parallel_loop3A_487 = tpu.memref_slice %arg7[%parallel_loop3A_484, %parallel_loop3A_485, %parallel_loop3A_486] : memref<2x64x257xf32, #tpu.memory_space<vmem>> -> memref<1x64x257xf32, #tpu.memory_space<vmem>>
      %parallel_loop3A_488 = tpu.memref_squeeze %parallel_loop3A_487 : memref<1x64x257xf32, #tpu.memory_space<vmem>> -> memref<64x257xf32, #tpu.memory_space<vmem>>
      tpu.vector_store_idx %parallel_loop3A_488[%add3A_9, %parallel_loop3A_468], %parallel_loop3A_483 : memref<64x257xf32, #tpu.memory_space<vmem>>[vector<16xi32>, vector<16xi32>], vector<16xf32>,
      %parallel_loop3A_489 = arith.constant 0 : i32
      %parallel_loop3A_490 = arith.index_cast %parallel_loop3A_489 : i32 to index
      %parallel_loop3A_491 = arith.index_cast %parallel_loop3A_464 : i32 to index
      %parallel_loop3A_492 = arith.constant 32 : index
      %parallel_loop3A_493 = tpu.vector_load %arg6[%parallel_loop3A_490, %parallel_loop3A_491, %parallel_loop3A_492] {strides = array<i32>} : memref<2x256x64xf32, #tpu.memory_space<vmem>>, vector<16xf32>,
      %parallel_loop3A_494 = arith.constant 0 : i32
      %parallel_loop3A_495 = arith.constant 0 : i32
      %parallel_loop3A_496 = arith.constant 0 : i32
      %parallel_loop3A_497 = tpu.memref_slice %arg7[%parallel_loop3A_494, %parallel_loop3A_495, %parallel_loop3A_496] : memref<2x64x257xf32, #tpu.memory_space<vmem>> -> memref<1x64x257xf32, #tpu.memory_space<vmem>>
      %parallel_loop3A_498 = tpu.memref_squeeze %parallel_loop3A_497 : memref<1x64x257xf32, #tpu.memory_space<vmem>> -> memref<64x257xf32, #tpu.memory_space<vmem>>
      tpu.vector_store_idx %parallel_loop3A_498[%add3A_13, %parallel_loop3A_468], %parallel_loop3A_493 : memref<64x257xf32, #tpu.memory_space<vmem>>[vector<16xi32>, vector<16xi32>], vector<16xf32>,
      %parallel_loop3A_499 = arith.constant 0 : i32
      %parallel_loop3A_500 = arith.index_cast %parallel_loop3A_499 : i32 to index
      %parallel_loop3A_501 = arith.index_cast %parallel_loop3A_464 : i32 to index
      %parallel_loop3A_502 = arith.constant 48 : index
      %parallel_loop3A_503 = tpu.vector_load %arg6[%parallel_loop3A_500, %parallel_loop3A_501, %parallel_loop3A_502] {strides = array<i32>} : memref<2x256x64xf32, #tpu.memory_space<vmem>>, vector<16xf32>,
      %parallel_loop3A_504 = arith.constant 0 : i32
      %parallel_loop3A_505 = arith.constant 0 : i32
      %parallel_loop3A_506 = arith.constant 0 : i32
      %parallel_loop3A_507 = tpu.memref_slice %arg7[%parallel_loop3A_504, %parallel_loop3A_505, %parallel_loop3A_506] : memref<2x64x257xf32, #tpu.memory_space<vmem>> -> memref<1x64x257xf32, #tpu.memory_space<vmem>>
      %parallel_loop3A_508 = tpu.memref_squeeze %parallel_loop3A_507 : memref<1x64x257xf32, #tpu.memory_space<vmem>> -> memref<64x257xf32, #tpu.memory_space<vmem>>
      tpu.vector_store_idx %parallel_loop3A_508[%add3A_17, %parallel_loop3A_468], %parallel_loop3A_503 : memref<64x257xf32, #tpu.memory_space<vmem>>[vector<16xi32>, vector<16xi32>], vector<16xf32>,
    } {sc.loop_unroll_factor = 2 : i64, sc.parallel_access}
    %add3A_108 = arith.constant 0 : i32
    %add3A_109 = arith.addi %mul3A_2, %add3A_108 : i32
    %dma_start3A_110 = arith.constant 0 : i32
    %dma_start3A_111 = arith.constant 0 : i32
    %dma_start3A_112 = arith.constant 0 : i32
    %dma_start3A_113 = arith.constant 0 : i32
    %dma_start3A_114 = tpu.memref_slice %arg7[%dma_start3A_110, %dma_start3A_112, %dma_start3A_113] : memref<2x64x257xf32, #tpu.memory_space<vmem>> -> memref<1x64x257xf32, #tpu.memory_space<vmem>>
    %dma_start3A_115 = tpu.memref_squeeze %dma_start3A_114 : memref<1x64x257xf32, #tpu.memory_space<vmem>> -> memref<64x257xf32, #tpu.memory_space<vmem>>
    %dma_start3A_116 = arith.constant 0 : i32
    %dma_start3A_117 = arith.constant 0 : i32
    %dma_start3A_118 = tpu.memref_slice %dma_start3A_115[%dma_start3A_116, %dma_start3A_117] : memref<64x257xf32, #tpu.memory_space<vmem>> -> memref<64x256xf32, #tpu.memory_space<vmem>>
    %dma_start3A_119 = arith.constant 0 : i32
    %dma_start3A_120 = tpu.memref_slice %arg4[%dma_start3A_111, %dma_start3A_119, %add3A_109] : memref<26x64x16384xf32, #tpu.memory_space<hbm>> -> memref<1x64x256xf32, #tpu.memory_space<hbm>>
    %dma_start3A_121 = tpu.memref_squeeze %dma_start3A_120 : memref<1x64x256xf32, #tpu.memory_space<hbm>> -> memref<64x256xf32, #tpu.memory_space<hbm>>
    %dma_start3A_122 = arith.constant 0 : i32
    %dma_start3A_123 = tpu.memref_slice %arg4[%dma_start3A_111, %dma_start3A_122, %add3A_109] : memref<26x64x16384xf32, #tpu.memory_space<hbm>> -> memref<1x64x256xf32, #tpu.memory_space<hbm>>
    %dma_start3A_124 = tpu.memref_squeeze %dma_start3A_123 : memref<1x64x256xf32, #tpu.memory_space<hbm>> -> memref<64x256xf32, #tpu.memory_space<hbm>>
    %dma_start3A_125 = arith.constant 0 : i32
    %dma_start3A_126 = arith.constant 0 : i32
    %dma_start3A_127 = tpu.memref_slice %arg7[%dma_start3A_110, %dma_start3A_125, %dma_start3A_126] : memref<2x64x257xf32, #tpu.memory_space<vmem>> -> memref<1x64x257xf32, #tpu.memory_space<vmem>>
    %dma_start3A_128 = tpu.memref_squeeze %dma_start3A_127 : memref<1x64x257xf32, #tpu.memory_space<vmem>> -> memref<64x257xf32, #tpu.memory_space<vmem>>
    %dma_start3A_129 = arith.constant 0 : i32
    %dma_start3A_130 = arith.constant 0 : i32
    %dma_start3A_131 = tpu.memref_slice %dma_start3A_128[%dma_start3A_129, %dma_start3A_130] : memref<64x257xf32, #tpu.memory_space<vmem>> -> memref<64x256xf32, #tpu.memory_space<vmem>>
    tpu.enqueue_dma source(%dma_start3A_131 : memref<64x256xf32, #tpu.memory_space<vmem>>) target(%dma_start3A_124 : memref<64x256xf32, #tpu.memory_space<hbm>>) target_semaphore(%arg10 : memref<!tpu.dma_semaphore, #tpu.memory_space<semaphore_mem>>)
    %dma_start3A_132 = arith.constant 1 : i32
    %dma_start3A_133 = arith.constant 0 : i32
    %dma_start3A_134 = arith.constant 0 : i32
    %dma_start3A_135 = arith.constant 0 : i32
    %dma_start3A_136 = tpu.memref_slice %arg6[%dma_start3A_133, %dma_start3A_134, %dma_start3A_135] : memref<2x256x64xf32, #tpu.memory_space<vmem>> -> memref<1x256x64xf32, #tpu.memory_space<vmem>>
    %dma_start3A_137 = tpu.memref_squeeze %dma_start3A_136 : memref<1x256x64xf32, #tpu.memory_space<vmem>> -> memref<256x64xf32, #tpu.memory_space<vmem>>
    %dma_start3A_138 = arith.constant 0 : i32
    %dma_start3A_139 = arith.constant 0 : i32
    %dma_start3A_140 = tpu.memref_slice %dma_start3A_137[%dma_start3A_138, %dma_start3A_139] : memref<256x64xf32, #tpu.memory_space<vmem>> -> memref<128x64xf32, #tpu.memory_space<vmem>>
    %dma_start3A_141 = arith.constant 0 : i32
    %dma_start3A_142 = tpu.memref_slice %arg5[%dma_start3A_132, %dma_start3A_141] : memref<26x512xi32, #tpu.memory_space<vmem>> -> memref<1x128xi32, #tpu.memory_space<vmem>>
    %dma_start3A_143 = tpu.memref_squeeze %dma_start3A_142 : memref<1x128xi32, #tpu.memory_space<vmem>> -> memref<128xi32, #tpu.memory_space<vmem>>
    %dma_start3A_144 = arith.constant 0 : i32
    %dma_start3A_145 = arith.constant 0 : i32
    %dma_start3A_146 = tpu.memref_slice %arg3[%dma_start3A_144, %dma_start3A_145] : memref<100000x64xf32, #tpu.memory_space<hbm>> -> memref<100000x64xf32, #tpu.memory_space<hbm>>
    tpu.enqueue_indirect_dma source(%dma_start3A_146 : memref<100000x64xf32, #tpu.memory_space<hbm>>) target(%dma_start3A_140 : memref<128x64xf32, #tpu.memory_space<vmem>>) offsets(%dma_start3A_143 : memref<128xi32, #tpu.memory_space<vmem>>) semaphore(%arg8 : memref<!tpu.dma_semaphore, #tpu.memory_space<semaphore_mem>>)
    %dma_start3A_147 = arith.constant 1 : i32
    %dma_start3A_148 = arith.constant 0 : i32
    %dma_start3A_149 = arith.constant 0 : i32
    %dma_start3A_150 = arith.constant 0 : i32
    %dma_start3A_151 = tpu.memref_slice %arg6[%dma_start3A_148, %dma_start3A_149, %dma_start3A_150] : memref<2x256x64xf32, #tpu.memory_space<vmem>> -> memref<1x256x64xf32, #tpu.memory_space<vmem>>
    %dma_start3A_152 = tpu.memref_squeeze %dma_start3A_151 : memref<1x256x64xf32, #tpu.memory_space<vmem>> -> memref<256x64xf32, #tpu.memory_space<vmem>>
    %dma_start3A_153 = arith.constant 128 : i32
    %dma_start3A_154 = arith.constant 0 : i32
    %dma_start3A_155 = tpu.memref_slice %dma_start3A_152[%dma_start3A_153, %dma_start3A_154] : memref<256x64xf32, #tpu.memory_space<vmem>> -> memref<128x64xf32, #tpu.memory_space<vmem>>
    %dma_start3A_156 = arith.constant 128 : i32
    %dma_start3A_157 = tpu.memref_slice %arg5[%dma_start3A_147, %dma_start3A_156] : memref<26x512xi32, #tpu.memory_space<vmem>> -> memref<1x128xi32, #tpu.memory_space<vmem>>
    %dma_start3A_158 = tpu.memref_squeeze %dma_start3A_157 : memref<1x128xi32, #tpu.memory_space<vmem>> -> memref<128xi32, #tpu.memory_space<vmem>>
    %dma_start3A_159 = arith.constant 0 : i32
    %dma_start3A_160 = arith.constant 0 : i32
    %dma_start3A_161 = tpu.memref_slice %arg3[%dma_start3A_159, %dma_start3A_160] : memref<100000x64xf32, #tpu.memory_space<hbm>> -> memref<100000x64xf32, #tpu.memory_space<hbm>>
    tpu.enqueue_indirect_dma source(%dma_start3A_161 : memref<100000x64xf32, #tpu.memory_space<hbm>>) target(%dma_start3A_155 : memref<128x64xf32, #tpu.memory_space<vmem>>) offsets(%dma_start3A_158 : memref<128xi32, #tpu.memory_space<vmem>>) semaphore(%arg8 : memref<!tpu.dma_semaphore, #tpu.memory_space<semaphore_mem>>)
    %dma_wait3A_162 = arith.constant 0 : i32
    %dma_wait3A_163 = arith.constant 1 : i32
    %dma_wait3A_164 = arith.constant 0 : i32
    %dma_wait3A_165 = arith.constant 0 : i32
    %dma_wait3A_166 = tpu.memref_slice %arg6[%dma_wait3A_163, %dma_wait3A_164, %dma_wait3A_165] : memref<2x256x64xf32, #tpu.memory_space<vmem>> -> memref<1x256x64xf32, #tpu.memory_space<vmem>>
    %dma_wait3A_167 = tpu.memref_squeeze %dma_wait3A_166 : memref<1x256x64xf32, #tpu.memory_space<vmem>> -> memref<256x64xf32, #tpu.memory_space<vmem>>
    %dma_wait3A_168 = arith.constant 0 : i32
    %dma_wait3A_169 = arith.constant 0 : i32
    %dma_wait3A_170 = tpu.memref_slice %dma_wait3A_167[%dma_wait3A_168, %dma_wait3A_169] : memref<256x64xf32, #tpu.memory_space<vmem>> -> memref<128x64xf32, #tpu.memory_space<vmem>>
    %dma_wait3A_171 = arith.constant 256 : i32
    %dma_wait3A_172 = tpu.memref_slice %arg5[%dma_wait3A_162, %dma_wait3A_171] : memref<26x512xi32, #tpu.memory_space<vmem>> -> memref<1x128xi32, #tpu.memory_space<vmem>>
    %dma_wait3A_173 = tpu.memref_squeeze %dma_wait3A_172 : memref<1x128xi32, #tpu.memory_space<vmem>> -> memref<128xi32, #tpu.memory_space<vmem>>
    %dma_wait3A_174 = arith.constant 0 : i32
    %dma_wait3A_175 = arith.constant 0 : i32
    %dma_wait3A_176 = tpu.memref_slice %arg3[%dma_wait3A_174, %dma_wait3A_175] : memref<100000x64xf32, #tpu.memory_space<hbm>> -> memref<100000x64xf32, #tpu.memory_space<hbm>>
    tpu.wait_indirect_dma semaphore(%arg9 : memref<!tpu.dma_semaphore, #tpu.memory_space<semaphore_mem>>) src(%dma_wait3A_176 : memref<100000x64xf32, #tpu.memory_space<hbm>>) dst(%dma_wait3A_170 : memref<128x64xf32, #tpu.memory_space<vmem>>)
    %dma_wait3A_177 = arith.constant 0 : i32
    %dma_wait3A_178 = arith.constant 1 : i32
    %dma_wait3A_179 = arith.constant 0 : i32
    %dma_wait3A_180 = arith.constant 0 : i32
    %dma_wait3A_181 = tpu.memref_slice %arg6[%dma_wait3A_178, %dma_wait3A_179, %dma_wait3A_180] : memref<2x256x64xf32, #tpu.memory_space<vmem>> -> memref<1x256x64xf32, #tpu.memory_space<vmem>>
    %dma_wait3A_182 = tpu.memref_squeeze %dma_wait3A_181 : memref<1x256x64xf32, #tpu.memory_space<vmem>> -> memref<256x64xf32, #tpu.memory_space<vmem>>
    %dma_wait3A_183 = arith.constant 128 : i32
    %dma_wait3A_184 = arith.constant 0 : i32
    %dma_wait3A_185 = tpu.memref_slice %dma_wait3A_182[%dma_wait3A_183, %dma_wait3A_184] : memref<256x64xf32, #tpu.memory_space<vmem>> -> memref<128x64xf32, #tpu.memory_space<vmem>>
    %dma_wait3A_186 = arith.constant 384 : i32
    %dma_wait3A_187 = tpu.memref_slice %arg5[%dma_wait3A_177, %dma_wait3A_186] : memref<26x512xi32, #tpu.memory_space<vmem>> -> memref<1x128xi32, #tpu.memory_space<vmem>>
    %dma_wait3A_188 = tpu.memref_squeeze %dma_wait3A_187 : memref<1x128xi32, #tpu.memory_space<vmem>> -> memref<128xi32, #tpu.memory_space<vmem>>
    %dma_wait3A_189 = arith.constant 0 : i32
    %dma_wait3A_190 = arith.constant 0 : i32
    %dma_wait3A_191 = tpu.memref_slice %arg3[%dma_wait3A_189, %dma_wait3A_190] : memref<100000x64xf32, #tpu.memory_space<hbm>> -> memref<100000x64xf32, #tpu.memory_space<hbm>>
    tpu.wait_indirect_dma semaphore(%arg9 : memref<!tpu.dma_semaphore, #tpu.memory_space<semaphore_mem>>) src(%dma_wait3A_191 : memref<100000x64xf32, #tpu.memory_space<hbm>>) dst(%dma_wait3A_185 : memref<128x64xf32, #tpu.memory_space<vmem>>)
    %parallel_loop3A_192 = arith.constant 0 : i32
    %parallel_loop3A_193 = arith.constant 256 : i32
    %parallel_loop3A_194 = arith.constant 1 : i32
    scf.for %parallel_loop3A_464 = %parallel_loop3A_192 to %parallel_loop3A_193 step %parallel_loop3A_194  : i32 {
      %parallel_loop3A_465 = arith.constant 0 : i32
      %parallel_loop3A_466 = vector.broadcast %parallel_loop3A_465 : i32 to vector<16xi32>
      %parallel_loop3A_467 = vector.broadcast %parallel_loop3A_464 : i32 to vector<16xi32>
      %parallel_loop3A_468 = arith.addi %parallel_loop3A_466, %parallel_loop3A_467 : vector<16xi32>
      %parallel_loop3A_469 = arith.constant 1 : i32
      %parallel_loop3A_470 = arith.index_cast %parallel_loop3A_469 : i32 to index
      %parallel_loop3A_471 = arith.index_cast %parallel_loop3A_464 : i32 to index
      %parallel_loop3A_472 = arith.constant 0 : index
      %parallel_loop3A_473 = tpu.vector_load %arg6[%parallel_loop3A_470, %parallel_loop3A_471, %parallel_loop3A_472] {strides = array<i32>} : memref<2x256x64xf32, #tpu.memory_space<vmem>>, vector<16xf32>,
      %parallel_loop3A_474 = arith.constant 1 : i32
      %parallel_loop3A_475 = arith.constant 0 : i32
      %parallel_loop3A_476 = arith.constant 0 : i32
      %parallel_loop3A_477 = tpu.memref_slice %arg7[%parallel_loop3A_474, %parallel_loop3A_475, %parallel_loop3A_476] : memref<2x64x257xf32, #tpu.memory_space<vmem>> -> memref<1x64x257xf32, #tpu.memory_space<vmem>>
      %parallel_loop3A_478 = tpu.memref_squeeze %parallel_loop3A_477 : memref<1x64x257xf32, #tpu.memory_space<vmem>> -> memref<64x257xf32, #tpu.memory_space<vmem>>
      tpu.vector_store_idx %parallel_loop3A_478[%add3A_5, %parallel_loop3A_468], %parallel_loop3A_473 : memref<64x257xf32, #tpu.memory_space<vmem>>[vector<16xi32>, vector<16xi32>], vector<16xf32>,
      %parallel_loop3A_479 = arith.constant 1 : i32
      %parallel_loop3A_480 = arith.index_cast %parallel_loop3A_479 : i32 to index
      %parallel_loop3A_481 = arith.index_cast %parallel_loop3A_464 : i32 to index
      %parallel_loop3A_482 = arith.constant 16 : index
      %parallel_loop3A_483 = tpu.vector_load %arg6[%parallel_loop3A_480, %parallel_loop3A_481, %parallel_loop3A_482] {strides = array<i32>} : memref<2x256x64xf32, #tpu.memory_space<vmem>>, vector<16xf32>,
      %parallel_loop3A_484 = arith.constant 1 : i32
      %parallel_loop3A_485 = arith.constant 0 : i32
      %parallel_loop3A_486 = arith.constant 0 : i32
      %parallel_loop3A_487 = tpu.memref_slice %arg7[%parallel_loop3A_484, %parallel_loop3A_485, %parallel_loop3A_486] : memref<2x64x257xf32, #tpu.memory_space<vmem>> -> memref<1x64x257xf32, #tpu.memory_space<vmem>>
      %parallel_loop3A_488 = tpu.memref_squeeze %parallel_loop3A_487 : memref<1x64x257xf32, #tpu.memory_space<vmem>> -> memref<64x257xf32, #tpu.memory_space<vmem>>
      tpu.vector_store_idx %parallel_loop3A_488[%add3A_9, %parallel_loop3A_468], %parallel_loop3A_483 : memref<64x257xf32, #tpu.memory_space<vmem>>[vector<16xi32>, vector<16xi32>], vector<16xf32>,
      %parallel_loop3A_489 = arith.constant 1 : i32
      %parallel_loop3A_490 = arith.index_cast %parallel_loop3A_489 : i32 to index
      %parallel_loop3A_491 = arith.index_cast %parallel_loop3A_464 : i32 to index
      %parallel_loop3A_492 = arith.constant 32 : index
      %parallel_loop3A_493 = tpu.vector_load %arg6[%parallel_loop3A_490, %parallel_loop3A_491, %parallel_loop3A_492] {strides = array<i32>} : memref<2x256x64xf32, #tpu.memory_space<vmem>>, vector<16xf32>,
      %parallel_loop3A_494 = arith.constant 1 : i32
      %parallel_loop3A_495 = arith.constant 0 : i32
      %parallel_loop3A_496 = arith.constant 0 : i32
      %parallel_loop3A_497 = tpu.memref_slice %arg7[%parallel_loop3A_494, %parallel_loop3A_495, %parallel_loop3A_496] : memref<2x64x257xf32, #tpu.memory_space<vmem>> -> memref<1x64x257xf32, #tpu.memory_space<vmem>>
      %parallel_loop3A_498 = tpu.memref_squeeze %parallel_loop3A_497 : memref<1x64x257xf32, #tpu.memory_space<vmem>> -> memref<64x257xf32, #tpu.memory_space<vmem>>
      tpu.vector_store_idx %parallel_loop3A_498[%add3A_13, %parallel_loop3A_468], %parallel_loop3A_493 : memref<64x257xf32, #tpu.memory_space<vmem>>[vector<16xi32>, vector<16xi32>], vector<16xf32>,
      %parallel_loop3A_499 = arith.constant 1 : i32
      %parallel_loop3A_500 = arith.index_cast %parallel_loop3A_499 : i32 to index
      %parallel_loop3A_501 = arith.index_cast %parallel_loop3A_464 : i32 to index
      %parallel_loop3A_502 = arith.constant 48 : index
      %parallel_loop3A_503 = tpu.vector_load %arg6[%parallel_loop3A_500, %parallel_loop3A_501, %parallel_loop3A_502] {strides = array<i32>} : memref<2x256x64xf32, #tpu.memory_space<vmem>>, vector<16xf32>,
      %parallel_loop3A_504 = arith.constant 1 : i32
      %parallel_loop3A_505 = arith.constant 0 : i32
      %parallel_loop3A_506 = arith.constant 0 : i32
      %parallel_loop3A_507 = tpu.memref_slice %arg7[%parallel_loop3A_504, %parallel_loop3A_505, %parallel_loop3A_506] : memref<2x64x257xf32, #tpu.memory_space<vmem>> -> memref<1x64x257xf32, #tpu.memory_space<vmem>>
      %parallel_loop3A_508 = tpu.memref_squeeze %parallel_loop3A_507 : memref<1x64x257xf32, #tpu.memory_space<vmem>> -> memref<64x257xf32, #tpu.memory_space<vmem>>
      tpu.vector_store_idx %parallel_loop3A_508[%add3A_17, %parallel_loop3A_468], %parallel_loop3A_503 : memref<64x257xf32, #tpu.memory_space<vmem>>[vector<16xi32>, vector<16xi32>], vector<16xf32>,
    } {sc.loop_unroll_factor = 2 : i64, sc.parallel_access}
    %add3A_195 = arith.constant 256 : i32
    %add3A_196 = arith.addi %mul3A_2, %add3A_195 : i32
    %dma_start3A_197 = arith.constant 1 : i32
    %dma_start3A_198 = arith.constant 0 : i32
    %dma_start3A_199 = arith.constant 0 : i32
    %dma_start3A_200 = arith.constant 0 : i32
    %dma_start3A_201 = tpu.memref_slice %arg7[%dma_start3A_197, %dma_start3A_199, %dma_start3A_200] : memref<2x64x257xf32, #tpu.memory_space<vmem>> -> memref<1x64x257xf32, #tpu.memory_space<vmem>>
    %dma_start3A_202 = tpu.memref_squeeze %dma_start3A_201 : memref<1x64x257xf32, #tpu.memory_space<vmem>> -> memref<64x257xf32, #tpu.memory_space<vmem>>
    %dma_start3A_203 = arith.constant 0 : i32
    %dma_start3A_204 = arith.constant 0 : i32
    %dma_start3A_205 = tpu.memref_slice %dma_start3A_202[%dma_start3A_203, %dma_start3A_204] : memref<64x257xf32, #tpu.memory_space<vmem>> -> memref<64x256xf32, #tpu.memory_space<vmem>>
    %dma_start3A_206 = arith.constant 0 : i32
    %dma_start3A_207 = tpu.memref_slice %arg4[%dma_start3A_198, %dma_start3A_206, %add3A_196] : memref<26x64x16384xf32, #tpu.memory_space<hbm>> -> memref<1x64x256xf32, #tpu.memory_space<hbm>>
    %dma_start3A_208 = tpu.memref_squeeze %dma_start3A_207 : memref<1x64x256xf32, #tpu.memory_space<hbm>> -> memref<64x256xf32, #tpu.memory_space<hbm>>
    %dma_start3A_209 = arith.constant 0 : i32
    %dma_start3A_210 = tpu.memref_slice %arg4[%dma_start3A_198, %dma_start3A_209, %add3A_196] : memref<26x64x16384xf32, #tpu.memory_space<hbm>> -> memref<1x64x256xf32, #tpu.memory_space<hbm>>
    %dma_start3A_211 = tpu.memref_squeeze %dma_start3A_210 : memref<1x64x256xf32, #tpu.memory_space<hbm>> -> memref<64x256xf32, #tpu.memory_space<hbm>>
    %dma_start3A_212 = arith.constant 0 : i32
    %dma_start3A_213 = arith.constant 0 : i32
    %dma_start3A_214 = tpu.memref_slice %arg7[%dma_start3A_197, %dma_start3A_212, %dma_start3A_213] : memref<2x64x257xf32, #tpu.memory_space<vmem>> -> memref<1x64x257xf32, #tpu.memory_space<vmem>>
    %dma_start3A_215 = tpu.memref_squeeze %dma_start3A_214 : memref<1x64x257xf32, #tpu.memory_space<vmem>> -> memref<64x257xf32, #tpu.memory_space<vmem>>
    %dma_start3A_216 = arith.constant 0 : i32
    %dma_start3A_217 = arith.constant 0 : i32
    %dma_start3A_218 = tpu.memref_slice %dma_start3A_215[%dma_start3A_216, %dma_start3A_217] : memref<64x257xf32, #tpu.memory_space<vmem>> -> memref<64x256xf32, #tpu.memory_space<vmem>>
    tpu.enqueue_dma source(%dma_start3A_218 : memref<64x256xf32, #tpu.memory_space<vmem>>) target(%dma_start3A_211 : memref<64x256xf32, #tpu.memory_space<hbm>>) target_semaphore(%arg11 : memref<!tpu.dma_semaphore, #tpu.memory_space<semaphore_mem>>)
    %scan3A = arith.constant 0 : i32
    %scan3A_219 = arith.constant 1 : i32
    %scan3A_220 = arith.constant 24 : i32
    %scan3A_221 = arith.addi %scan3A_219, %scan3A_220 : i32
    %scan3A_222 = arith.constant 1 : i32
    scf.for %scan3A_464 = %scan3A_219 to %scan3A_221 step %scan3A_222  : i32 {
      %sub3A = arith.constant 1 : i32
      %sub3A_465 = arith.subi %scan3A_464, %sub3A : i32
      %add3A_466 = arith.constant 0 : i32
      %add3A_467 = arith.addi %mul3A_2, %add3A_466 : i32
      %dma_wait3A_468 = arith.constant 0 : i32
      %dma_wait3A_469 = arith.constant 0 : i32
      %dma_wait3A_470 = arith.constant 0 : i32
      %dma_wait3A_471 = tpu.memref_slice %arg7[%dma_wait3A_468, %dma_wait3A_469, %dma_wait3A_470] : memref<2x64x257xf32, #tpu.memory_space<vmem>> -> memref<1x64x257xf32, #tpu.memory_space<vmem>>
      %dma_wait3A_472 = tpu.memref_squeeze %dma_wait3A_471 : memref<1x64x257xf32, #tpu.memory_space<vmem>> -> memref<64x257xf32, #tpu.memory_space<vmem>>
      %dma_wait3A_473 = arith.constant 0 : i32
      %dma_wait3A_474 = arith.constant 0 : i32
      %dma_wait3A_475 = tpu.memref_slice %dma_wait3A_472[%dma_wait3A_473, %dma_wait3A_474] : memref<64x257xf32, #tpu.memory_space<vmem>> -> memref<64x256xf32, #tpu.memory_space<vmem>>
      %dma_wait3A_476 = arith.constant 0 : i32
      %dma_wait3A_477 = tpu.memref_slice %arg4[%sub3A_465, %dma_wait3A_476, %add3A_467] : memref<26x64x16384xf32, #tpu.memory_space<hbm>> -> memref<1x64x256xf32, #tpu.memory_space<hbm>>
      %dma_wait3A_478 = tpu.memref_squeeze %dma_wait3A_477 : memref<1x64x256xf32, #tpu.memory_space<hbm>> -> memref<64x256xf32, #tpu.memory_space<hbm>>
      %dma_wait3A_479 = arith.constant 0 : i32
      %dma_wait3A_480 = tpu.memref_slice %arg4[%sub3A_465, %dma_wait3A_479, %add3A_467] : memref<26x64x16384xf32, #tpu.memory_space<hbm>> -> memref<1x64x256xf32, #tpu.memory_space<hbm>>
      %dma_wait3A_481 = tpu.memref_squeeze %dma_wait3A_480 : memref<1x64x256xf32, #tpu.memory_space<hbm>> -> memref<64x256xf32, #tpu.memory_space<hbm>>
      %dma_wait3A_482 = arith.constant 0 : i32
      %dma_wait3A_483 = arith.constant 0 : i32
      %dma_wait3A_484 = tpu.memref_slice %arg7[%dma_wait3A_468, %dma_wait3A_482, %dma_wait3A_483] : memref<2x64x257xf32, #tpu.memory_space<vmem>> -> memref<1x64x257xf32, #tpu.memory_space<vmem>>
      %dma_wait3A_485 = tpu.memref_squeeze %dma_wait3A_484 : memref<1x64x257xf32, #tpu.memory_space<vmem>> -> memref<64x257xf32, #tpu.memory_space<vmem>>
      %dma_wait3A_486 = arith.constant 0 : i32
      %dma_wait3A_487 = arith.constant 0 : i32
      %dma_wait3A_488 = tpu.memref_slice %dma_wait3A_485[%dma_wait3A_486, %dma_wait3A_487] : memref<64x257xf32, #tpu.memory_space<vmem>> -> memref<64x256xf32, #tpu.memory_space<vmem>>
      tpu.wait_dma2 semaphore(%arg10 : memref<!tpu.dma_semaphore, #tpu.memory_space<semaphore_mem>>) src(%dma_wait3A_488 : memref<64x256xf32, #tpu.memory_space<vmem>>) dst(%dma_wait3A_481 : memref<64x256xf32, #tpu.memory_space<hbm>>)
      %dma_start3A_489 = arith.constant 1 : i32
      %dma_start3A_490 = arith.constant 0 : i32
      %dma_start3A_491 = arith.constant 0 : i32
      %dma_start3A_492 = tpu.memref_slice %arg6[%dma_start3A_489, %dma_start3A_490, %dma_start3A_491] : memref<2x256x64xf32, #tpu.memory_space<vmem>> -> memref<1x256x64xf32, #tpu.memory_space<vmem>>
      %dma_start3A_493 = tpu.memref_squeeze %dma_start3A_492 : memref<1x256x64xf32, #tpu.memory_space<vmem>> -> memref<256x64xf32, #tpu.memory_space<vmem>>
      %dma_start3A_494 = arith.constant 0 : i32
      %dma_start3A_495 = arith.constant 0 : i32
      %dma_start3A_496 = tpu.memref_slice %dma_start3A_493[%dma_start3A_494, %dma_start3A_495] : memref<256x64xf32, #tpu.memory_space<vmem>> -> memref<128x64xf32, #tpu.memory_space<vmem>>
      %dma_start3A_497 = arith.constant 256 : i32
      %dma_start3A_498 = tpu.memref_slice %arg5[%scan3A_464, %dma_start3A_497] : memref<26x512xi32, #tpu.memory_space<vmem>> -> memref<1x128xi32, #tpu.memory_space<vmem>>
      %dma_start3A_499 = tpu.memref_squeeze %dma_start3A_498 : memref<1x128xi32, #tpu.memory_space<vmem>> -> memref<128xi32, #tpu.memory_space<vmem>>
      %dma_start3A_500 = arith.constant 0 : i32
      %dma_start3A_501 = arith.constant 0 : i32
      %dma_start3A_502 = tpu.memref_slice %arg3[%dma_start3A_500, %dma_start3A_501] : memref<100000x64xf32, #tpu.memory_space<hbm>> -> memref<100000x64xf32, #tpu.memory_space<hbm>>
      tpu.enqueue_indirect_dma source(%dma_start3A_502 : memref<100000x64xf32, #tpu.memory_space<hbm>>) target(%dma_start3A_496 : memref<128x64xf32, #tpu.memory_space<vmem>>) offsets(%dma_start3A_499 : memref<128xi32, #tpu.memory_space<vmem>>) semaphore(%arg9 : memref<!tpu.dma_semaphore, #tpu.memory_space<semaphore_mem>>)
      %dma_start3A_503 = arith.constant 1 : i32
      %dma_start3A_504 = arith.constant 0 : i32
      %dma_start3A_505 = arith.constant 0 : i32
      %dma_start3A_506 = tpu.memref_slice %arg6[%dma_start3A_503, %dma_start3A_504, %dma_start3A_505] : memref<2x256x64xf32, #tpu.memory_space<vmem>> -> memref<1x256x64xf32, #tpu.memory_space<vmem>>
      %dma_start3A_507 = tpu.memref_squeeze %dma_start3A_506 : memref<1x256x64xf32, #tpu.memory_space<vmem>> -> memref<256x64xf32, #tpu.memory_space<vmem>>
      %dma_start3A_508 = arith.constant 128 : i32
      %dma_start3A_509 = arith.constant 0 : i32
      %dma_start3A_510 = tpu.memref_slice %dma_start3A_507[%dma_start3A_508, %dma_start3A_509] : memref<256x64xf32, #tpu.memory_space<vmem>> -> memref<128x64xf32, #tpu.memory_space<vmem>>
      %dma_start3A_511 = arith.constant 384 : i32
      %dma_start3A_512 = tpu.memref_slice %arg5[%scan3A_464, %dma_start3A_511] : memref<26x512xi32, #tpu.memory_space<vmem>> -> memref<1x128xi32, #tpu.memory_space<vmem>>
      %dma_start3A_513 = tpu.memref_squeeze %dma_start3A_512 : memref<1x128xi32, #tpu.memory_space<vmem>> -> memref<128xi32, #tpu.memory_space<vmem>>
      %dma_start3A_514 = arith.constant 0 : i32
      %dma_start3A_515 = arith.constant 0 : i32
      %dma_start3A_516 = tpu.memref_slice %arg3[%dma_start3A_514, %dma_start3A_515] : memref<100000x64xf32, #tpu.memory_space<hbm>> -> memref<100000x64xf32, #tpu.memory_space<hbm>>
      tpu.enqueue_indirect_dma source(%dma_start3A_516 : memref<100000x64xf32, #tpu.memory_space<hbm>>) target(%dma_start3A_510 : memref<128x64xf32, #tpu.memory_space<vmem>>) offsets(%dma_start3A_513 : memref<128xi32, #tpu.memory_space<vmem>>) semaphore(%arg9 : memref<!tpu.dma_semaphore, #tpu.memory_space<semaphore_mem>>)
      %dma_wait3A_517 = arith.constant 0 : i32
      %dma_wait3A_518 = arith.constant 0 : i32
      %dma_wait3A_519 = arith.constant 0 : i32
      %dma_wait3A_520 = tpu.memref_slice %arg6[%dma_wait3A_517, %dma_wait3A_518, %dma_wait3A_519] : memref<2x256x64xf32, #tpu.memory_space<vmem>> -> memref<1x256x64xf32, #tpu.memory_space<vmem>>
      %dma_wait3A_521 = tpu.memref_squeeze %dma_wait3A_520 : memref<1x256x64xf32, #tpu.memory_space<vmem>> -> memref<256x64xf32, #tpu.memory_space<vmem>>
      %dma_wait3A_522 = arith.constant 0 : i32
      %dma_wait3A_523 = arith.constant 0 : i32
      %dma_wait3A_524 = tpu.memref_slice %dma_wait3A_521[%dma_wait3A_522, %dma_wait3A_523] : memref<256x64xf32, #tpu.memory_space<vmem>> -> memref<128x64xf32, #tpu.memory_space<vmem>>
      %dma_wait3A_525 = arith.constant 0 : i32
      %dma_wait3A_526 = tpu.memref_slice %arg5[%scan3A_464, %dma_wait3A_525] : memref<26x512xi32, #tpu.memory_space<vmem>> -> memref<1x128xi32, #tpu.memory_space<vmem>>
      %dma_wait3A_527 = tpu.memref_squeeze %dma_wait3A_526 : memref<1x128xi32, #tpu.memory_space<vmem>> -> memref<128xi32, #tpu.memory_space<vmem>>
      %dma_wait3A_528 = arith.constant 0 : i32
      %dma_wait3A_529 = arith.constant 0 : i32
      %dma_wait3A_530 = tpu.memref_slice %arg3[%dma_wait3A_528, %dma_wait3A_529] : memref<100000x64xf32, #tpu.memory_space<hbm>> -> memref<100000x64xf32, #tpu.memory_space<hbm>>
      tpu.wait_indirect_dma semaphore(%arg8 : memref<!tpu.dma_semaphore, #tpu.memory_space<semaphore_mem>>) src(%dma_wait3A_530 : memref<100000x64xf32, #tpu.memory_space<hbm>>) dst(%dma_wait3A_524 : memref<128x64xf32, #tpu.memory_space<vmem>>)
      %dma_wait3A_531 = arith.constant 0 : i32
      %dma_wait3A_532 = arith.constant 0 : i32
      %dma_wait3A_533 = arith.constant 0 : i32
      %dma_wait3A_534 = tpu.memref_slice %arg6[%dma_wait3A_531, %dma_wait3A_532, %dma_wait3A_533] : memref<2x256x64xf32, #tpu.memory_space<vmem>> -> memref<1x256x64xf32, #tpu.memory_space<vmem>>
      %dma_wait3A_535 = tpu.memref_squeeze %dma_wait3A_534 : memref<1x256x64xf32, #tpu.memory_space<vmem>> -> memref<256x64xf32, #tpu.memory_space<vmem>>
      %dma_wait3A_536 = arith.constant 128 : i32
      %dma_wait3A_537 = arith.constant 0 : i32
      %dma_wait3A_538 = tpu.memref_slice %dma_wait3A_535[%dma_wait3A_536, %dma_wait3A_537] : memref<256x64xf32, #tpu.memory_space<vmem>> -> memref<128x64xf32, #tpu.memory_space<vmem>>
      %dma_wait3A_539 = arith.constant 128 : i32
      %dma_wait3A_540 = tpu.memref_slice %arg5[%scan3A_464, %dma_wait3A_539] : memref<26x512xi32, #tpu.memory_space<vmem>> -> memref<1x128xi32, #tpu.memory_space<vmem>>
      %dma_wait3A_541 = tpu.memref_squeeze %dma_wait3A_540 : memref<1x128xi32, #tpu.memory_space<vmem>> -> memref<128xi32, #tpu.memory_space<vmem>>
      %dma_wait3A_542 = arith.constant 0 : i32
      %dma_wait3A_543 = arith.constant 0 : i32
      %dma_wait3A_544 = tpu.memref_slice %arg3[%dma_wait3A_542, %dma_wait3A_543] : memref<100000x64xf32, #tpu.memory_space<hbm>> -> memref<100000x64xf32, #tpu.memory_space<hbm>>
      tpu.wait_indirect_dma semaphore(%arg8 : memref<!tpu.dma_semaphore, #tpu.memory_space<semaphore_mem>>) src(%dma_wait3A_544 : memref<100000x64xf32, #tpu.memory_space<hbm>>) dst(%dma_wait3A_538 : memref<128x64xf32, #tpu.memory_space<vmem>>)
      %parallel_loop3A_545 = arith.constant 0 : i32
      %parallel_loop3A_546 = arith.constant 256 : i32
      %parallel_loop3A_547 = arith.constant 1 : i32
      scf.for %parallel_loop3A_680 = %parallel_loop3A_545 to %parallel_loop3A_546 step %parallel_loop3A_547  : i32 {
        %parallel_loop3A_681 = arith.constant 0 : i32
        %parallel_loop3A_682 = vector.broadcast %parallel_loop3A_681 : i32 to vector<16xi32>
        %parallel_loop3A_683 = vector.broadcast %parallel_loop3A_680 : i32 to vector<16xi32>
        %parallel_loop3A_684 = arith.addi %parallel_loop3A_682, %parallel_loop3A_683 : vector<16xi32>
        %parallel_loop3A_685 = arith.constant 0 : i32
        %parallel_loop3A_686 = arith.index_cast %parallel_loop3A_685 : i32 to index
        %parallel_loop3A_687 = arith.index_cast %parallel_loop3A_680 : i32 to index
        %parallel_loop3A_688 = arith.constant 0 : index
        %parallel_loop3A_689 = tpu.vector_load %arg6[%parallel_loop3A_686, %parallel_loop3A_687, %parallel_loop3A_688] {strides = array<i32>} : memref<2x256x64xf32, #tpu.memory_space<vmem>>, vector<16xf32>,
        %parallel_loop3A_690 = arith.constant 0 : i32
        %parallel_loop3A_691 = arith.constant 0 : i32
        %parallel_loop3A_692 = arith.constant 0 : i32
        %parallel_loop3A_693 = tpu.memref_slice %arg7[%parallel_loop3A_690, %parallel_loop3A_691, %parallel_loop3A_692] : memref<2x64x257xf32, #tpu.memory_space<vmem>> -> memref<1x64x257xf32, #tpu.memory_space<vmem>>
        %parallel_loop3A_694 = tpu.memref_squeeze %parallel_loop3A_693 : memref<1x64x257xf32, #tpu.memory_space<vmem>> -> memref<64x257xf32, #tpu.memory_space<vmem>>
        tpu.vector_store_idx %parallel_loop3A_694[%add3A_5, %parallel_loop3A_684], %parallel_loop3A_689 : memref<64x257xf32, #tpu.memory_space<vmem>>[vector<16xi32>, vector<16xi32>], vector<16xf32>,
        %parallel_loop3A_695 = arith.constant 0 : i32
        %parallel_loop3A_696 = arith.index_cast %parallel_loop3A_695 : i32 to index
        %parallel_loop3A_697 = arith.index_cast %parallel_loop3A_680 : i32 to index
        %parallel_loop3A_698 = arith.constant 16 : index
        %parallel_loop3A_699 = tpu.vector_load %arg6[%parallel_loop3A_696, %parallel_loop3A_697, %parallel_loop3A_698] {strides = array<i32>} : memref<2x256x64xf32, #tpu.memory_space<vmem>>, vector<16xf32>,
        %parallel_loop3A_700 = arith.constant 0 : i32
        %parallel_loop3A_701 = arith.constant 0 : i32
        %parallel_loop3A_702 = arith.constant 0 : i32
        %parallel_loop3A_703 = tpu.memref_slice %arg7[%parallel_loop3A_700, %parallel_loop3A_701, %parallel_loop3A_702] : memref<2x64x257xf32, #tpu.memory_space<vmem>> -> memref<1x64x257xf32, #tpu.memory_space<vmem>>
        %parallel_loop3A_704 = tpu.memref_squeeze %parallel_loop3A_703 : memref<1x64x257xf32, #tpu.memory_space<vmem>> -> memref<64x257xf32, #tpu.memory_space<vmem>>
        tpu.vector_store_idx %parallel_loop3A_704[%add3A_9, %parallel_loop3A_684], %parallel_loop3A_699 : memref<64x257xf32, #tpu.memory_space<vmem>>[vector<16xi32>, vector<16xi32>], vector<16xf32>,
        %parallel_loop3A_705 = arith.constant 0 : i32
        %parallel_loop3A_706 = arith.index_cast %parallel_loop3A_705 : i32 to index
        %parallel_loop3A_707 = arith.index_cast %parallel_loop3A_680 : i32 to index
        %parallel_loop3A_708 = arith.constant 32 : index
        %parallel_loop3A_709 = tpu.vector_load %arg6[%parallel_loop3A_706, %parallel_loop3A_707, %parallel_loop3A_708] {strides = array<i32>} : memref<2x256x64xf32, #tpu.memory_space<vmem>>, vector<16xf32>,
        %parallel_loop3A_710 = arith.constant 0 : i32
        %parallel_loop3A_711 = arith.constant 0 : i32
        %parallel_loop3A_712 = arith.constant 0 : i32
        %parallel_loop3A_713 = tpu.memref_slice %arg7[%parallel_loop3A_710, %parallel_loop3A_711, %parallel_loop3A_712] : memref<2x64x257xf32, #tpu.memory_space<vmem>> -> memref<1x64x257xf32, #tpu.memory_space<vmem>>
        %parallel_loop3A_714 = tpu.memref_squeeze %parallel_loop3A_713 : memref<1x64x257xf32, #tpu.memory_space<vmem>> -> memref<64x257xf32, #tpu.memory_space<vmem>>
        tpu.vector_store_idx %parallel_loop3A_714[%add3A_13, %parallel_loop3A_684], %parallel_loop3A_709 : memref<64x257xf32, #tpu.memory_space<vmem>>[vector<16xi32>, vector<16xi32>], vector<16xf32>,
        %parallel_loop3A_715 = arith.constant 0 : i32
        %parallel_loop3A_716 = arith.index_cast %parallel_loop3A_715 : i32 to index
        %parallel_loop3A_717 = arith.index_cast %parallel_loop3A_680 : i32 to index
        %parallel_loop3A_718 = arith.constant 48 : index
        %parallel_loop3A_719 = tpu.vector_load %arg6[%parallel_loop3A_716, %parallel_loop3A_717, %parallel_loop3A_718] {strides = array<i32>} : memref<2x256x64xf32, #tpu.memory_space<vmem>>, vector<16xf32>,
        %parallel_loop3A_720 = arith.constant 0 : i32
        %parallel_loop3A_721 = arith.constant 0 : i32
        %parallel_loop3A_722 = arith.constant 0 : i32
        %parallel_loop3A_723 = tpu.memref_slice %arg7[%parallel_loop3A_720, %parallel_loop3A_721, %parallel_loop3A_722] : memref<2x64x257xf32, #tpu.memory_space<vmem>> -> memref<1x64x257xf32, #tpu.memory_space<vmem>>
        %parallel_loop3A_724 = tpu.memref_squeeze %parallel_loop3A_723 : memref<1x64x257xf32, #tpu.memory_space<vmem>> -> memref<64x257xf32, #tpu.memory_space<vmem>>
        tpu.vector_store_idx %parallel_loop3A_724[%add3A_17, %parallel_loop3A_684], %parallel_loop3A_719 : memref<64x257xf32, #tpu.memory_space<vmem>>[vector<16xi32>, vector<16xi32>], vector<16xf32>,
      } {sc.loop_unroll_factor = 2 : i64, sc.parallel_access}
      %sub3A_548 = arith.constant 1 : i32
      %sub3A_549 = arith.subi %scan3A_464, %sub3A_548 : i32
      %add3A_550 = arith.constant 256 : i32
      %add3A_551 = arith.addi %mul3A_2, %add3A_550 : i32
      %dma_wait3A_552 = arith.constant 1 : i32
      %dma_wait3A_553 = arith.constant 0 : i32
      %dma_wait3A_554 = arith.constant 0 : i32
      %dma_wait3A_555 = tpu.memref_slice %arg7[%dma_wait3A_552, %dma_wait3A_553, %dma_wait3A_554] : memref<2x64x257xf32, #tpu.memory_space<vmem>> -> memref<1x64x257xf32, #tpu.memory_space<vmem>>
      %dma_wait3A_556 = tpu.memref_squeeze %dma_wait3A_555 : memref<1x64x257xf32, #tpu.memory_space<vmem>> -> memref<64x257xf32, #tpu.memory_space<vmem>>
      %dma_wait3A_557 = arith.constant 0 : i32
      %dma_wait3A_558 = arith.constant 0 : i32
      %dma_wait3A_559 = tpu.memref_slice %dma_wait3A_556[%dma_wait3A_557, %dma_wait3A_558] : memref<64x257xf32, #tpu.memory_space<vmem>> -> memref<64x256xf32, #tpu.memory_space<vmem>>
      %dma_wait3A_560 = arith.constant 0 : i32
      %dma_wait3A_561 = tpu.memref_slice %arg4[%sub3A_549, %dma_wait3A_560, %add3A_551] : memref<26x64x16384xf32, #tpu.memory_space<hbm>> -> memref<1x64x256xf32, #tpu.memory_space<hbm>>
      %dma_wait3A_562 = tpu.memref_squeeze %dma_wait3A_561 : memref<1x64x256xf32, #tpu.memory_space<hbm>> -> memref<64x256xf32, #tpu.memory_space<hbm>>
      %dma_wait3A_563 = arith.constant 0 : i32
      %dma_wait3A_564 = tpu.memref_slice %arg4[%sub3A_549, %dma_wait3A_563, %add3A_551] : memref<26x64x16384xf32, #tpu.memory_space<hbm>> -> memref<1x64x256xf32, #tpu.memory_space<hbm>>
      %dma_wait3A_565 = tpu.memref_squeeze %dma_wait3A_564 : memref<1x64x256xf32, #tpu.memory_space<hbm>> -> memref<64x256xf32, #tpu.memory_space<hbm>>
      %dma_wait3A_566 = arith.constant 0 : i32
      %dma_wait3A_567 = arith.constant 0 : i32
      %dma_wait3A_568 = tpu.memref_slice %arg7[%dma_wait3A_552, %dma_wait3A_566, %dma_wait3A_567] : memref<2x64x257xf32, #tpu.memory_space<vmem>> -> memref<1x64x257xf32, #tpu.memory_space<vmem>>
      %dma_wait3A_569 = tpu.memref_squeeze %dma_wait3A_568 : memref<1x64x257xf32, #tpu.memory_space<vmem>> -> memref<64x257xf32, #tpu.memory_space<vmem>>
      %dma_wait3A_570 = arith.constant 0 : i32
      %dma_wait3A_571 = arith.constant 0 : i32
      %dma_wait3A_572 = tpu.memref_slice %dma_wait3A_569[%dma_wait3A_570, %dma_wait3A_571] : memref<64x257xf32, #tpu.memory_space<vmem>> -> memref<64x256xf32, #tpu.memory_space<vmem>>
      tpu.wait_dma2 semaphore(%arg11 : memref<!tpu.dma_semaphore, #tpu.memory_space<semaphore_mem>>) src(%dma_wait3A_572 : memref<64x256xf32, #tpu.memory_space<vmem>>) dst(%dma_wait3A_565 : memref<64x256xf32, #tpu.memory_space<hbm>>)
      %add3A_573 = arith.constant 0 : i32
      %add3A_574 = arith.addi %mul3A_2, %add3A_573 : i32
      %dma_start3A_575 = arith.constant 0 : i32
      %dma_start3A_576 = arith.constant 0 : i32
      %dma_start3A_577 = arith.constant 0 : i32
      %dma_start3A_578 = tpu.memref_slice %arg7[%dma_start3A_575, %dma_start3A_576, %dma_start3A_577] : memref<2x64x257xf32, #tpu.memory_space<vmem>> -> memref<1x64x257xf32, #tpu.memory_space<vmem>>
      %dma_start3A_579 = tpu.memref_squeeze %dma_start3A_578 : memref<1x64x257xf32, #tpu.memory_space<vmem>> -> memref<64x257xf32, #tpu.memory_space<vmem>>
      %dma_start3A_580 = arith.constant 0 : i32
      %dma_start3A_581 = arith.constant 0 : i32
      %dma_start3A_582 = tpu.memref_slice %dma_start3A_579[%dma_start3A_580, %dma_start3A_581] : memref<64x257xf32, #tpu.memory_space<vmem>> -> memref<64x256xf32, #tpu.memory_space<vmem>>
      %dma_start3A_583 = arith.constant 0 : i32
      %dma_start3A_584 = tpu.memref_slice %arg4[%scan3A_464, %dma_start3A_583, %add3A_574] : memref<26x64x16384xf32, #tpu.memory_space<hbm>> -> memref<1x64x256xf32, #tpu.memory_space<hbm>>
      %dma_start3A_585 = tpu.memref_squeeze %dma_start3A_584 : memref<1x64x256xf32, #tpu.memory_space<hbm>> -> memref<64x256xf32, #tpu.memory_space<hbm>>
      %dma_start3A_586 = arith.constant 0 : i32
      %dma_start3A_587 = tpu.memref_slice %arg4[%scan3A_464, %dma_start3A_586, %add3A_574] : memref<26x64x16384xf32, #tpu.memory_space<hbm>> -> memref<1x64x256xf32, #tpu.memory_space<hbm>>
      %dma_start3A_588 = tpu.memref_squeeze %dma_start3A_587 : memref<1x64x256xf32, #tpu.memory_space<hbm>> -> memref<64x256xf32, #tpu.memory_space<hbm>>
      %dma_start3A_589 = arith.constant 0 : i32
      %dma_start3A_590 = arith.constant 0 : i32
      %dma_start3A_591 = tpu.memref_slice %arg7[%dma_start3A_575, %dma_start3A_589, %dma_start3A_590] : memref<2x64x257xf32, #tpu.memory_space<vmem>> -> memref<1x64x257xf32, #tpu.memory_space<vmem>>
      %dma_start3A_592 = tpu.memref_squeeze %dma_start3A_591 : memref<1x64x257xf32, #tpu.memory_space<vmem>> -> memref<64x257xf32, #tpu.memory_space<vmem>>
      %dma_start3A_593 = arith.constant 0 : i32
      %dma_start3A_594 = arith.constant 0 : i32
      %dma_start3A_595 = tpu.memref_slice %dma_start3A_592[%dma_start3A_593, %dma_start3A_594] : memref<64x257xf32, #tpu.memory_space<vmem>> -> memref<64x256xf32, #tpu.memory_space<vmem>>
      tpu.enqueue_dma source(%dma_start3A_595 : memref<64x256xf32, #tpu.memory_space<vmem>>) target(%dma_start3A_588 : memref<64x256xf32, #tpu.memory_space<hbm>>) target_semaphore(%arg10 : memref<!tpu.dma_semaphore, #tpu.memory_space<semaphore_mem>>)
      %add3A_596 = arith.constant 1 : i32
      %add3A_597 = arith.addi %scan3A_464, %add3A_596 : i32
      %dma_start3A_598 = arith.constant 0 : i32
      %dma_start3A_599 = arith.constant 0 : i32
      %dma_start3A_600 = arith.constant 0 : i32
      %dma_start3A_601 = tpu.memref_slice %arg6[%dma_start3A_598, %dma_start3A_599, %dma_start3A_600] : memref<2x256x64xf32, #tpu.memory_space<vmem>> -> memref<1x256x64xf32, #tpu.memory_space<vmem>>
      %dma_start3A_602 = tpu.memref_squeeze %dma_start3A_601 : memref<1x256x64xf32, #tpu.memory_space<vmem>> -> memref<256x64xf32, #tpu.memory_space<vmem>>
      %dma_start3A_603 = arith.constant 0 : i32
      %dma_start3A_604 = arith.constant 0 : i32
      %dma_start3A_605 = tpu.memref_slice %dma_start3A_602[%dma_start3A_603, %dma_start3A_604] : memref<256x64xf32, #tpu.memory_space<vmem>> -> memref<128x64xf32, #tpu.memory_space<vmem>>
      %dma_start3A_606 = arith.constant 0 : i32
      %dma_start3A_607 = tpu.memref_slice %arg5[%add3A_597, %dma_start3A_606] : memref<26x512xi32, #tpu.memory_space<vmem>> -> memref<1x128xi32, #tpu.memory_space<vmem>>
      %dma_start3A_608 = tpu.memref_squeeze %dma_start3A_607 : memref<1x128xi32, #tpu.memory_space<vmem>> -> memref<128xi32, #tpu.memory_space<vmem>>
      %dma_start3A_609 = arith.constant 0 : i32
      %dma_start3A_610 = arith.constant 0 : i32
      %dma_start3A_611 = tpu.memref_slice %arg3[%dma_start3A_609, %dma_start3A_610] : memref<100000x64xf32, #tpu.memory_space<hbm>> -> memref<100000x64xf32, #tpu.memory_space<hbm>>
      tpu.enqueue_indirect_dma source(%dma_start3A_611 : memref<100000x64xf32, #tpu.memory_space<hbm>>) target(%dma_start3A_605 : memref<128x64xf32, #tpu.memory_space<vmem>>) offsets(%dma_start3A_608 : memref<128xi32, #tpu.memory_space<vmem>>) semaphore(%arg8 : memref<!tpu.dma_semaphore, #tpu.memory_space<semaphore_mem>>)
      %dma_start3A_612 = arith.constant 0 : i32
      %dma_start3A_613 = arith.constant 0 : i32
      %dma_start3A_614 = arith.constant 0 : i32
      %dma_start3A_615 = tpu.memref_slice %arg6[%dma_start3A_612, %dma_start3A_613, %dma_start3A_614] : memref<2x256x64xf32, #tpu.memory_space<vmem>> -> memref<1x256x64xf32, #tpu.memory_space<vmem>>
      %dma_start3A_616 = tpu.memref_squeeze %dma_start3A_615 : memref<1x256x64xf32, #tpu.memory_space<vmem>> -> memref<256x64xf32, #tpu.memory_space<vmem>>
      %dma_start3A_617 = arith.constant 128 : i32
      %dma_start3A_618 = arith.constant 0 : i32
      %dma_start3A_619 = tpu.memref_slice %dma_start3A_616[%dma_start3A_617, %dma_start3A_618] : memref<256x64xf32, #tpu.memory_space<vmem>> -> memref<128x64xf32, #tpu.memory_space<vmem>>
      %dma_start3A_620 = arith.constant 128 : i32
      %dma_start3A_621 = tpu.memref_slice %arg5[%add3A_597, %dma_start3A_620] : memref<26x512xi32, #tpu.memory_space<vmem>> -> memref<1x128xi32, #tpu.memory_space<vmem>>
      %dma_start3A_622 = tpu.memref_squeeze %dma_start3A_621 : memref<1x128xi32, #tpu.memory_space<vmem>> -> memref<128xi32, #tpu.memory_space<vmem>>
      %dma_start3A_623 = arith.constant 0 : i32
      %dma_start3A_624 = arith.constant 0 : i32
      %dma_start3A_625 = tpu.memref_slice %arg3[%dma_start3A_623, %dma_start3A_624] : memref<100000x64xf32, #tpu.memory_space<hbm>> -> memref<100000x64xf32, #tpu.memory_space<hbm>>
      tpu.enqueue_indirect_dma source(%dma_start3A_625 : memref<100000x64xf32, #tpu.memory_space<hbm>>) target(%dma_start3A_619 : memref<128x64xf32, #tpu.memory_space<vmem>>) offsets(%dma_start3A_622 : memref<128xi32, #tpu.memory_space<vmem>>) semaphore(%arg8 : memref<!tpu.dma_semaphore, #tpu.memory_space<semaphore_mem>>)
      %dma_wait3A_626 = arith.constant 1 : i32
      %dma_wait3A_627 = arith.constant 0 : i32
      %dma_wait3A_628 = arith.constant 0 : i32
      %dma_wait3A_629 = tpu.memref_slice %arg6[%dma_wait3A_626, %dma_wait3A_627, %dma_wait3A_628] : memref<2x256x64xf32, #tpu.memory_space<vmem>> -> memref<1x256x64xf32, #tpu.memory_space<vmem>>
      %dma_wait3A_630 = tpu.memref_squeeze %dma_wait3A_629 : memref<1x256x64xf32, #tpu.memory_space<vmem>> -> memref<256x64xf32, #tpu.memory_space<vmem>>
      %dma_wait3A_631 = arith.constant 0 : i32
      %dma_wait3A_632 = arith.constant 0 : i32
      %dma_wait3A_633 = tpu.memref_slice %dma_wait3A_630[%dma_wait3A_631, %dma_wait3A_632] : memref<256x64xf32, #tpu.memory_space<vmem>> -> memref<128x64xf32, #tpu.memory_space<vmem>>
      %dma_wait3A_634 = arith.constant 256 : i32
      %dma_wait3A_635 = tpu.memref_slice %arg5[%scan3A_464, %dma_wait3A_634] : memref<26x512xi32, #tpu.memory_space<vmem>> -> memref<1x128xi32, #tpu.memory_space<vmem>>
      %dma_wait3A_636 = tpu.memref_squeeze %dma_wait3A_635 : memref<1x128xi32, #tpu.memory_space<vmem>> -> memref<128xi32, #tpu.memory_space<vmem>>
      %dma_wait3A_637 = arith.constant 0 : i32
      %dma_wait3A_638 = arith.constant 0 : i32
      %dma_wait3A_639 = tpu.memref_slice %arg3[%dma_wait3A_637, %dma_wait3A_638] : memref<100000x64xf32, #tpu.memory_space<hbm>> -> memref<100000x64xf32, #tpu.memory_space<hbm>>
      tpu.wait_indirect_dma semaphore(%arg9 : memref<!tpu.dma_semaphore, #tpu.memory_space<semaphore_mem>>) src(%dma_wait3A_639 : memref<100000x64xf32, #tpu.memory_space<hbm>>) dst(%dma_wait3A_633 : memref<128x64xf32, #tpu.memory_space<vmem>>)
      %dma_wait3A_640 = arith.constant 1 : i32
      %dma_wait3A_641 = arith.constant 0 : i32
      %dma_wait3A_642 = arith.constant 0 : i32
      %dma_wait3A_643 = tpu.memref_slice %arg6[%dma_wait3A_640, %dma_wait3A_641, %dma_wait3A_642] : memref<2x256x64xf32, #tpu.memory_space<vmem>> -> memref<1x256x64xf32, #tpu.memory_space<vmem>>
      %dma_wait3A_644 = tpu.memref_squeeze %dma_wait3A_643 : memref<1x256x64xf32, #tpu.memory_space<vmem>> -> memref<256x64xf32, #tpu.memory_space<vmem>>
      %dma_wait3A_645 = arith.constant 128 : i32
      %dma_wait3A_646 = arith.constant 0 : i32
      %dma_wait3A_647 = tpu.memref_slice %dma_wait3A_644[%dma_wait3A_645, %dma_wait3A_646] : memref<256x64xf32, #tpu.memory_space<vmem>> -> memref<128x64xf32, #tpu.memory_space<vmem>>
      %dma_wait3A_648 = arith.constant 384 : i32
      %dma_wait3A_649 = tpu.memref_slice %arg5[%scan3A_464, %dma_wait3A_648] : memref<26x512xi32, #tpu.memory_space<vmem>> -> memref<1x128xi32, #tpu.memory_space<vmem>>
      %dma_wait3A_650 = tpu.memref_squeeze %dma_wait3A_649 : memref<1x128xi32, #tpu.memory_space<vmem>> -> memref<128xi32, #tpu.memory_space<vmem>>
      %dma_wait3A_651 = arith.constant 0 : i32
      %dma_wait3A_652 = arith.constant 0 : i32
      %dma_wait3A_653 = tpu.memref_slice %arg3[%dma_wait3A_651, %dma_wait3A_652] : memref<100000x64xf32, #tpu.memory_space<hbm>> -> memref<100000x64xf32, #tpu.memory_space<hbm>>
      tpu.wait_indirect_dma semaphore(%arg9 : memref<!tpu.dma_semaphore, #tpu.memory_space<semaphore_mem>>) src(%dma_wait3A_653 : memref<100000x64xf32, #tpu.memory_space<hbm>>) dst(%dma_wait3A_647 : memref<128x64xf32, #tpu.memory_space<vmem>>)
      %parallel_loop3A_654 = arith.constant 0 : i32
      %parallel_loop3A_655 = arith.constant 256 : i32
      %parallel_loop3A_656 = arith.constant 1 : i32
      scf.for %parallel_loop3A_680 = %parallel_loop3A_654 to %parallel_loop3A_655 step %parallel_loop3A_656  : i32 {
        %parallel_loop3A_681 = arith.constant 0 : i32
        %parallel_loop3A_682 = vector.broadcast %parallel_loop3A_681 : i32 to vector<16xi32>
        %parallel_loop3A_683 = vector.broadcast %parallel_loop3A_680 : i32 to vector<16xi32>
        %parallel_loop3A_684 = arith.addi %parallel_loop3A_682, %parallel_loop3A_683 : vector<16xi32>
        %parallel_loop3A_685 = arith.constant 1 : i32
        %parallel_loop3A_686 = arith.index_cast %parallel_loop3A_685 : i32 to index
        %parallel_loop3A_687 = arith.index_cast %parallel_loop3A_680 : i32 to index
        %parallel_loop3A_688 = arith.constant 0 : index
        %parallel_loop3A_689 = tpu.vector_load %arg6[%parallel_loop3A_686, %parallel_loop3A_687, %parallel_loop3A_688] {strides = array<i32>} : memref<2x256x64xf32, #tpu.memory_space<vmem>>, vector<16xf32>,
        %parallel_loop3A_690 = arith.constant 1 : i32
        %parallel_loop3A_691 = arith.constant 0 : i32
        %parallel_loop3A_692 = arith.constant 0 : i32
        %parallel_loop3A_693 = tpu.memref_slice %arg7[%parallel_loop3A_690, %parallel_loop3A_691, %parallel_loop3A_692] : memref<2x64x257xf32, #tpu.memory_space<vmem>> -> memref<1x64x257xf32, #tpu.memory_space<vmem>>
        %parallel_loop3A_694 = tpu.memref_squeeze %parallel_loop3A_693 : memref<1x64x257xf32, #tpu.memory_space<vmem>> -> memref<64x257xf32, #tpu.memory_space<vmem>>
        tpu.vector_store_idx %parallel_loop3A_694[%add3A_5, %parallel_loop3A_684], %parallel_loop3A_689 : memref<64x257xf32, #tpu.memory_space<vmem>>[vector<16xi32>, vector<16xi32>], vector<16xf32>,
        %parallel_loop3A_695 = arith.constant 1 : i32
        %parallel_loop3A_696 = arith.index_cast %parallel_loop3A_695 : i32 to index
        %parallel_loop3A_697 = arith.index_cast %parallel_loop3A_680 : i32 to index
        %parallel_loop3A_698 = arith.constant 16 : index
        %parallel_loop3A_699 = tpu.vector_load %arg6[%parallel_loop3A_696, %parallel_loop3A_697, %parallel_loop3A_698] {strides = array<i32>} : memref<2x256x64xf32, #tpu.memory_space<vmem>>, vector<16xf32>,
        %parallel_loop3A_700 = arith.constant 1 : i32
        %parallel_loop3A_701 = arith.constant 0 : i32
        %parallel_loop3A_702 = arith.constant 0 : i32
        %parallel_loop3A_703 = tpu.memref_slice %arg7[%parallel_loop3A_700, %parallel_loop3A_701, %parallel_loop3A_702] : memref<2x64x257xf32, #tpu.memory_space<vmem>> -> memref<1x64x257xf32, #tpu.memory_space<vmem>>
        %parallel_loop3A_704 = tpu.memref_squeeze %parallel_loop3A_703 : memref<1x64x257xf32, #tpu.memory_space<vmem>> -> memref<64x257xf32, #tpu.memory_space<vmem>>
        tpu.vector_store_idx %parallel_loop3A_704[%add3A_9, %parallel_loop3A_684], %parallel_loop3A_699 : memref<64x257xf32, #tpu.memory_space<vmem>>[vector<16xi32>, vector<16xi32>], vector<16xf32>,
        %parallel_loop3A_705 = arith.constant 1 : i32
        %parallel_loop3A_706 = arith.index_cast %parallel_loop3A_705 : i32 to index
        %parallel_loop3A_707 = arith.index_cast %parallel_loop3A_680 : i32 to index
        %parallel_loop3A_708 = arith.constant 32 : index
        %parallel_loop3A_709 = tpu.vector_load %arg6[%parallel_loop3A_706, %parallel_loop3A_707, %parallel_loop3A_708] {strides = array<i32>} : memref<2x256x64xf32, #tpu.memory_space<vmem>>, vector<16xf32>,
        %parallel_loop3A_710 = arith.constant 1 : i32
        %parallel_loop3A_711 = arith.constant 0 : i32
        %parallel_loop3A_712 = arith.constant 0 : i32
        %parallel_loop3A_713 = tpu.memref_slice %arg7[%parallel_loop3A_710, %parallel_loop3A_711, %parallel_loop3A_712] : memref<2x64x257xf32, #tpu.memory_space<vmem>> -> memref<1x64x257xf32, #tpu.memory_space<vmem>>
        %parallel_loop3A_714 = tpu.memref_squeeze %parallel_loop3A_713 : memref<1x64x257xf32, #tpu.memory_space<vmem>> -> memref<64x257xf32, #tpu.memory_space<vmem>>
        tpu.vector_store_idx %parallel_loop3A_714[%add3A_13, %parallel_loop3A_684], %parallel_loop3A_709 : memref<64x257xf32, #tpu.memory_space<vmem>>[vector<16xi32>, vector<16xi32>], vector<16xf32>,
        %parallel_loop3A_715 = arith.constant 1 : i32
        %parallel_loop3A_716 = arith.index_cast %parallel_loop3A_715 : i32 to index
        %parallel_loop3A_717 = arith.index_cast %parallel_loop3A_680 : i32 to index
        %parallel_loop3A_718 = arith.constant 48 : index
        %parallel_loop3A_719 = tpu.vector_load %arg6[%parallel_loop3A_716, %parallel_loop3A_717, %parallel_loop3A_718] {strides = array<i32>} : memref<2x256x64xf32, #tpu.memory_space<vmem>>, vector<16xf32>,
        %parallel_loop3A_720 = arith.constant 1 : i32
        %parallel_loop3A_721 = arith.constant 0 : i32
        %parallel_loop3A_722 = arith.constant 0 : i32
        %parallel_loop3A_723 = tpu.memref_slice %arg7[%parallel_loop3A_720, %parallel_loop3A_721, %parallel_loop3A_722] : memref<2x64x257xf32, #tpu.memory_space<vmem>> -> memref<1x64x257xf32, #tpu.memory_space<vmem>>
        %parallel_loop3A_724 = tpu.memref_squeeze %parallel_loop3A_723 : memref<1x64x257xf32, #tpu.memory_space<vmem>> -> memref<64x257xf32, #tpu.memory_space<vmem>>
        tpu.vector_store_idx %parallel_loop3A_724[%add3A_17, %parallel_loop3A_684], %parallel_loop3A_719 : memref<64x257xf32, #tpu.memory_space<vmem>>[vector<16xi32>, vector<16xi32>], vector<16xf32>,
      } {sc.loop_unroll_factor = 2 : i64, sc.parallel_access}
      %add3A_657 = arith.constant 256 : i32
      %add3A_658 = arith.addi %mul3A_2, %add3A_657 : i32
      %dma_start3A_659 = arith.constant 1 : i32
      %dma_start3A_660 = arith.constant 0 : i32
      %dma_start3A_661 = arith.constant 0 : i32
      %dma_start3A_662 = tpu.memref_slice %arg7[%dma_start3A_659, %dma_start3A_660, %dma_start3A_661] : memref<2x64x257xf32, #tpu.memory_space<vmem>> -> memref<1x64x257xf32, #tpu.memory_space<vmem>>
      %dma_start3A_663 = tpu.memref_squeeze %dma_start3A_662 : memref<1x64x257xf32, #tpu.memory_space<vmem>> -> memref<64x257xf32, #tpu.memory_space<vmem>>
      %dma_start3A_664 = arith.constant 0 : i32
      %dma_start3A_665 = arith.constant 0 : i32
      %dma_start3A_666 = tpu.memref_slice %dma_start3A_663[%dma_start3A_664, %dma_start3A_665] : memref<64x257xf32, #tpu.memory_space<vmem>> -> memref<64x256xf32, #tpu.memory_space<vmem>>
      %dma_start3A_667 = arith.constant 0 : i32
      %dma_start3A_668 = tpu.memref_slice %arg4[%scan3A_464, %dma_start3A_667, %add3A_658] : memref<26x64x16384xf32, #tpu.memory_space<hbm>> -> memref<1x64x256xf32, #tpu.memory_space<hbm>>
      %dma_start3A_669 = tpu.memref_squeeze %dma_start3A_668 : memref<1x64x256xf32, #tpu.memory_space<hbm>> -> memref<64x256xf32, #tpu.memory_space<hbm>>
      %dma_start3A_670 = arith.constant 0 : i32
      %dma_start3A_671 = tpu.memref_slice %arg4[%scan3A_464, %dma_start3A_670, %add3A_658] : memref<26x64x16384xf32, #tpu.memory_space<hbm>> -> memref<1x64x256xf32, #tpu.memory_space<hbm>>
      %dma_start3A_672 = tpu.memref_squeeze %dma_start3A_671 : memref<1x64x256xf32, #tpu.memory_space<hbm>> -> memref<64x256xf32, #tpu.memory_space<hbm>>
      %dma_start3A_673 = arith.constant 0 : i32
      %dma_start3A_674 = arith.constant 0 : i32
      %dma_start3A_675 = tpu.memref_slice %arg7[%dma_start3A_659, %dma_start3A_673, %dma_start3A_674] : memref<2x64x257xf32, #tpu.memory_space<vmem>> -> memref<1x64x257xf32, #tpu.memory_space<vmem>>
      %dma_start3A_676 = tpu.memref_squeeze %dma_start3A_675 : memref<1x64x257xf32, #tpu.memory_space<vmem>> -> memref<64x257xf32, #tpu.memory_space<vmem>>
      %dma_start3A_677 = arith.constant 0 : i32
      %dma_start3A_678 = arith.constant 0 : i32
      %dma_start3A_679 = tpu.memref_slice %dma_start3A_676[%dma_start3A_677, %dma_start3A_678] : memref<64x257xf32, #tpu.memory_space<vmem>> -> memref<64x256xf32, #tpu.memory_space<vmem>>
      tpu.enqueue_dma source(%dma_start3A_679 : memref<64x256xf32, #tpu.memory_space<vmem>>) target(%dma_start3A_672 : memref<64x256xf32, #tpu.memory_space<hbm>>) target_semaphore(%arg11 : memref<!tpu.dma_semaphore, #tpu.memory_space<semaphore_mem>>)
    }
    %scan3A_223 = arith.constant 24 : i32
    %add3A_224 = arith.constant 0 : i32
    %add3A_225 = arith.addi %mul3A_2, %add3A_224 : i32
    %dma_wait3A_226 = arith.constant 0 : i32
    %dma_wait3A_227 = arith.constant 24 : i32
    %dma_wait3A_228 = arith.constant 0 : i32
    %dma_wait3A_229 = arith.constant 0 : i32
    %dma_wait3A_230 = tpu.memref_slice %arg7[%dma_wait3A_226, %dma_wait3A_228, %dma_wait3A_229] : memref<2x64x257xf32, #tpu.memory_space<vmem>> -> memref<1x64x257xf32, #tpu.memory_space<vmem>>
    %dma_wait3A_231 = tpu.memref_squeeze %dma_wait3A_230 : memref<1x64x257xf32, #tpu.memory_space<vmem>> -> memref<64x257xf32, #tpu.memory_space<vmem>>
    %dma_wait3A_232 = arith.constant 0 : i32
    %dma_wait3A_233 = arith.constant 0 : i32
    %dma_wait3A_234 = tpu.memref_slice %dma_wait3A_231[%dma_wait3A_232, %dma_wait3A_233] : memref<64x257xf32, #tpu.memory_space<vmem>> -> memref<64x256xf32, #tpu.memory_space<vmem>>
    %dma_wait3A_235 = arith.constant 0 : i32
    %dma_wait3A_236 = tpu.memref_slice %arg4[%dma_wait3A_227, %dma_wait3A_235, %add3A_225] : memref<26x64x16384xf32, #tpu.memory_space<hbm>> -> memref<1x64x256xf32, #tpu.memory_space<hbm>>
    %dma_wait3A_237 = tpu.memref_squeeze %dma_wait3A_236 : memref<1x64x256xf32, #tpu.memory_space<hbm>> -> memref<64x256xf32, #tpu.memory_space<hbm>>
    %dma_wait3A_238 = arith.constant 0 : i32
    %dma_wait3A_239 = tpu.memref_slice %arg4[%dma_wait3A_227, %dma_wait3A_238, %add3A_225] : memref<26x64x16384xf32, #tpu.memory_space<hbm>> -> memref<1x64x256xf32, #tpu.memory_space<hbm>>
    %dma_wait3A_240 = tpu.memref_squeeze %dma_wait3A_239 : memref<1x64x256xf32, #tpu.memory_space<hbm>> -> memref<64x256xf32, #tpu.memory_space<hbm>>
    %dma_wait3A_241 = arith.constant 0 : i32
    %dma_wait3A_242 = arith.constant 0 : i32
    %dma_wait3A_243 = tpu.memref_slice %arg7[%dma_wait3A_226, %dma_wait3A_241, %dma_wait3A_242] : memref<2x64x257xf32, #tpu.memory_space<vmem>> -> memref<1x64x257xf32, #tpu.memory_space<vmem>>
    %dma_wait3A_244 = tpu.memref_squeeze %dma_wait3A_243 : memref<1x64x257xf32, #tpu.memory_space<vmem>> -> memref<64x257xf32, #tpu.memory_space<vmem>>
    %dma_wait3A_245 = arith.constant 0 : i32
    %dma_wait3A_246 = arith.constant 0 : i32
    %dma_wait3A_247 = tpu.memref_slice %dma_wait3A_244[%dma_wait3A_245, %dma_wait3A_246] : memref<64x257xf32, #tpu.memory_space<vmem>> -> memref<64x256xf32, #tpu.memory_space<vmem>>
    tpu.wait_dma2 semaphore(%arg10 : memref<!tpu.dma_semaphore, #tpu.memory_space<semaphore_mem>>) src(%dma_wait3A_247 : memref<64x256xf32, #tpu.memory_space<vmem>>) dst(%dma_wait3A_240 : memref<64x256xf32, #tpu.memory_space<hbm>>)
    %dma_start3A_248 = arith.constant 25 : i32
    %dma_start3A_249 = arith.constant 1 : i32
    %dma_start3A_250 = arith.constant 0 : i32
    %dma_start3A_251 = arith.constant 0 : i32
    %dma_start3A_252 = tpu.memref_slice %arg6[%dma_start3A_249, %dma_start3A_250, %dma_start3A_251] : memref<2x256x64xf32, #tpu.memory_space<vmem>> -> memref<1x256x64xf32, #tpu.memory_space<vmem>>
    %dma_start3A_253 = tpu.memref_squeeze %dma_start3A_252 : memref<1x256x64xf32, #tpu.memory_space<vmem>> -> memref<256x64xf32, #tpu.memory_space<vmem>>
    %dma_start3A_254 = arith.constant 0 : i32
    %dma_start3A_255 = arith.constant 0 : i32
    %dma_start3A_256 = tpu.memref_slice %dma_start3A_253[%dma_start3A_254, %dma_start3A_255] : memref<256x64xf32, #tpu.memory_space<vmem>> -> memref<128x64xf32, #tpu.memory_space<vmem>>
    %dma_start3A_257 = arith.constant 256 : i32
    %dma_start3A_258 = tpu.memref_slice %arg5[%dma_start3A_248, %dma_start3A_257] : memref<26x512xi32, #tpu.memory_space<vmem>> -> memref<1x128xi32, #tpu.memory_space<vmem>>
    %dma_start3A_259 = tpu.memref_squeeze %dma_start3A_258 : memref<1x128xi32, #tpu.memory_space<vmem>> -> memref<128xi32, #tpu.memory_space<vmem>>
    %dma_start3A_260 = arith.constant 0 : i32
    %dma_start3A_261 = arith.constant 0 : i32
    %dma_start3A_262 = tpu.memref_slice %arg3[%dma_start3A_260, %dma_start3A_261] : memref<100000x64xf32, #tpu.memory_space<hbm>> -> memref<100000x64xf32, #tpu.memory_space<hbm>>
    tpu.enqueue_indirect_dma source(%dma_start3A_262 : memref<100000x64xf32, #tpu.memory_space<hbm>>) target(%dma_start3A_256 : memref<128x64xf32, #tpu.memory_space<vmem>>) offsets(%dma_start3A_259 : memref<128xi32, #tpu.memory_space<vmem>>) semaphore(%arg9 : memref<!tpu.dma_semaphore, #tpu.memory_space<semaphore_mem>>)
    %dma_start3A_263 = arith.constant 25 : i32
    %dma_start3A_264 = arith.constant 1 : i32
    %dma_start3A_265 = arith.constant 0 : i32
    %dma_start3A_266 = arith.constant 0 : i32
    %dma_start3A_267 = tpu.memref_slice %arg6[%dma_start3A_264, %dma_start3A_265, %dma_start3A_266] : memref<2x256x64xf32, #tpu.memory_space<vmem>> -> memref<1x256x64xf32, #tpu.memory_space<vmem>>
    %dma_start3A_268 = tpu.memref_squeeze %dma_start3A_267 : memref<1x256x64xf32, #tpu.memory_space<vmem>> -> memref<256x64xf32, #tpu.memory_space<vmem>>
    %dma_start3A_269 = arith.constant 128 : i32
    %dma_start3A_270 = arith.constant 0 : i32
    %dma_start3A_271 = tpu.memref_slice %dma_start3A_268[%dma_start3A_269, %dma_start3A_270] : memref<256x64xf32, #tpu.memory_space<vmem>> -> memref<128x64xf32, #tpu.memory_space<vmem>>
    %dma_start3A_272 = arith.constant 384 : i32
    %dma_start3A_273 = tpu.memref_slice %arg5[%dma_start3A_263, %dma_start3A_272] : memref<26x512xi32, #tpu.memory_space<vmem>> -> memref<1x128xi32, #tpu.memory_space<vmem>>
    %dma_start3A_274 = tpu.memref_squeeze %dma_start3A_273 : memref<1x128xi32, #tpu.memory_space<vmem>> -> memref<128xi32, #tpu.memory_space<vmem>>
    %dma_start3A_275 = arith.constant 0 : i32
    %dma_start3A_276 = arith.constant 0 : i32
    %dma_start3A_277 = tpu.memref_slice %arg3[%dma_start3A_275, %dma_start3A_276] : memref<100000x64xf32, #tpu.memory_space<hbm>> -> memref<100000x64xf32, #tpu.memory_space<hbm>>
    tpu.enqueue_indirect_dma source(%dma_start3A_277 : memref<100000x64xf32, #tpu.memory_space<hbm>>) target(%dma_start3A_271 : memref<128x64xf32, #tpu.memory_space<vmem>>) offsets(%dma_start3A_274 : memref<128xi32, #tpu.memory_space<vmem>>) semaphore(%arg9 : memref<!tpu.dma_semaphore, #tpu.memory_space<semaphore_mem>>)
    %dma_wait3A_278 = arith.constant 25 : i32
    %dma_wait3A_279 = arith.constant 0 : i32
    %dma_wait3A_280 = arith.constant 0 : i32
    %dma_wait3A_281 = arith.constant 0 : i32
    %dma_wait3A_282 = tpu.memref_slice %arg6[%dma_wait3A_279, %dma_wait3A_280, %dma_wait3A_281] : memref<2x256x64xf32, #tpu.memory_space<vmem>> -> memref<1x256x64xf32, #tpu.memory_space<vmem>>
    %dma_wait3A_283 = tpu.memref_squeeze %dma_wait3A_282 : memref<1x256x64xf32, #tpu.memory_space<vmem>> -> memref<256x64xf32, #tpu.memory_space<vmem>>
    %dma_wait3A_284 = arith.constant 0 : i32
    %dma_wait3A_285 = arith.constant 0 : i32
    %dma_wait3A_286 = tpu.memref_slice %dma_wait3A_283[%dma_wait3A_284, %dma_wait3A_285] : memref<256x64xf32, #tpu.memory_space<vmem>> -> memref<128x64xf32, #tpu.memory_space<vmem>>
    %dma_wait3A_287 = arith.constant 0 : i32
    %dma_wait3A_288 = tpu.memref_slice %arg5[%dma_wait3A_278, %dma_wait3A_287] : memref<26x512xi32, #tpu.memory_space<vmem>> -> memref<1x128xi32, #tpu.memory_space<vmem>>
    %dma_wait3A_289 = tpu.memref_squeeze %dma_wait3A_288 : memref<1x128xi32, #tpu.memory_space<vmem>> -> memref<128xi32, #tpu.memory_space<vmem>>
    %dma_wait3A_290 = arith.constant 0 : i32
    %dma_wait3A_291 = arith.constant 0 : i32
    %dma_wait3A_292 = tpu.memref_slice %arg3[%dma_wait3A_290, %dma_wait3A_291] : memref<100000x64xf32, #tpu.memory_space<hbm>> -> memref<100000x64xf32, #tpu.memory_space<hbm>>
    tpu.wait_indirect_dma semaphore(%arg8 : memref<!tpu.dma_semaphore, #tpu.memory_space<semaphore_mem>>) src(%dma_wait3A_292 : memref<100000x64xf32, #tpu.memory_space<hbm>>) dst(%dma_wait3A_286 : memref<128x64xf32, #tpu.memory_space<vmem>>)
    %dma_wait3A_293 = arith.constant 25 : i32
    %dma_wait3A_294 = arith.constant 0 : i32
    %dma_wait3A_295 = arith.constant 0 : i32
    %dma_wait3A_296 = arith.constant 0 : i32
    %dma_wait3A_297 = tpu.memref_slice %arg6[%dma_wait3A_294, %dma_wait3A_295, %dma_wait3A_296] : memref<2x256x64xf32, #tpu.memory_space<vmem>> -> memref<1x256x64xf32, #tpu.memory_space<vmem>>
    %dma_wait3A_298 = tpu.memref_squeeze %dma_wait3A_297 : memref<1x256x64xf32, #tpu.memory_space<vmem>> -> memref<256x64xf32, #tpu.memory_space<vmem>>
    %dma_wait3A_299 = arith.constant 128 : i32
    %dma_wait3A_300 = arith.constant 0 : i32
    %dma_wait3A_301 = tpu.memref_slice %dma_wait3A_298[%dma_wait3A_299, %dma_wait3A_300] : memref<256x64xf32, #tpu.memory_space<vmem>> -> memref<128x64xf32, #tpu.memory_space<vmem>>
    %dma_wait3A_302 = arith.constant 128 : i32
    %dma_wait3A_303 = tpu.memref_slice %arg5[%dma_wait3A_293, %dma_wait3A_302] : memref<26x512xi32, #tpu.memory_space<vmem>> -> memref<1x128xi32, #tpu.memory_space<vmem>>
    %dma_wait3A_304 = tpu.memref_squeeze %dma_wait3A_303 : memref<1x128xi32, #tpu.memory_space<vmem>> -> memref<128xi32, #tpu.memory_space<vmem>>
    %dma_wait3A_305 = arith.constant 0 : i32
    %dma_wait3A_306 = arith.constant 0 : i32
    %dma_wait3A_307 = tpu.memref_slice %arg3[%dma_wait3A_305, %dma_wait3A_306] : memref<100000x64xf32, #tpu.memory_space<hbm>> -> memref<100000x64xf32, #tpu.memory_space<hbm>>
    tpu.wait_indirect_dma semaphore(%arg8 : memref<!tpu.dma_semaphore, #tpu.memory_space<semaphore_mem>>) src(%dma_wait3A_307 : memref<100000x64xf32, #tpu.memory_space<hbm>>) dst(%dma_wait3A_301 : memref<128x64xf32, #tpu.memory_space<vmem>>)
    %parallel_loop3A_308 = arith.constant 0 : i32
    %parallel_loop3A_309 = arith.constant 256 : i32
    %parallel_loop3A_310 = arith.constant 1 : i32
    scf.for %parallel_loop3A_464 = %parallel_loop3A_308 to %parallel_loop3A_309 step %parallel_loop3A_310  : i32 {
      %parallel_loop3A_465 = arith.constant 0 : i32
      %parallel_loop3A_466 = vector.broadcast %parallel_loop3A_465 : i32 to vector<16xi32>
      %parallel_loop3A_467 = vector.broadcast %parallel_loop3A_464 : i32 to vector<16xi32>
      %parallel_loop3A_468 = arith.addi %parallel_loop3A_466, %parallel_loop3A_467 : vector<16xi32>
      %parallel_loop3A_469 = arith.constant 0 : i32
      %parallel_loop3A_470 = arith.index_cast %parallel_loop3A_469 : i32 to index
      %parallel_loop3A_471 = arith.index_cast %parallel_loop3A_464 : i32 to index
      %parallel_loop3A_472 = arith.constant 0 : index
      %parallel_loop3A_473 = tpu.vector_load %arg6[%parallel_loop3A_470, %parallel_loop3A_471, %parallel_loop3A_472] {strides = array<i32>} : memref<2x256x64xf32, #tpu.memory_space<vmem>>, vector<16xf32>,
      %parallel_loop3A_474 = arith.constant 0 : i32
      %parallel_loop3A_475 = arith.constant 0 : i32
      %parallel_loop3A_476 = arith.constant 0 : i32
      %parallel_loop3A_477 = tpu.memref_slice %arg7[%parallel_loop3A_474, %parallel_loop3A_475, %parallel_loop3A_476] : memref<2x64x257xf32, #tpu.memory_space<vmem>> -> memref<1x64x257xf32, #tpu.memory_space<vmem>>
      %parallel_loop3A_478 = tpu.memref_squeeze %parallel_loop3A_477 : memref<1x64x257xf32, #tpu.memory_space<vmem>> -> memref<64x257xf32, #tpu.memory_space<vmem>>
      tpu.vector_store_idx %parallel_loop3A_478[%add3A_5, %parallel_loop3A_468], %parallel_loop3A_473 : memref<64x257xf32, #tpu.memory_space<vmem>>[vector<16xi32>, vector<16xi32>], vector<16xf32>,
      %parallel_loop3A_479 = arith.constant 0 : i32
      %parallel_loop3A_480 = arith.index_cast %parallel_loop3A_479 : i32 to index
      %parallel_loop3A_481 = arith.index_cast %parallel_loop3A_464 : i32 to index
      %parallel_loop3A_482 = arith.constant 16 : index
      %parallel_loop3A_483 = tpu.vector_load %arg6[%parallel_loop3A_480, %parallel_loop3A_481, %parallel_loop3A_482] {strides = array<i32>} : memref<2x256x64xf32, #tpu.memory_space<vmem>>, vector<16xf32>,
      %parallel_loop3A_484 = arith.constant 0 : i32
      %parallel_loop3A_485 = arith.constant 0 : i32
      %parallel_loop3A_486 = arith.constant 0 : i32
      %parallel_loop3A_487 = tpu.memref_slice %arg7[%parallel_loop3A_484, %parallel_loop3A_485, %parallel_loop3A_486] : memref<2x64x257xf32, #tpu.memory_space<vmem>> -> memref<1x64x257xf32, #tpu.memory_space<vmem>>
      %parallel_loop3A_488 = tpu.memref_squeeze %parallel_loop3A_487 : memref<1x64x257xf32, #tpu.memory_space<vmem>> -> memref<64x257xf32, #tpu.memory_space<vmem>>
      tpu.vector_store_idx %parallel_loop3A_488[%add3A_9, %parallel_loop3A_468], %parallel_loop3A_483 : memref<64x257xf32, #tpu.memory_space<vmem>>[vector<16xi32>, vector<16xi32>], vector<16xf32>,
      %parallel_loop3A_489 = arith.constant 0 : i32
      %parallel_loop3A_490 = arith.index_cast %parallel_loop3A_489 : i32 to index
      %parallel_loop3A_491 = arith.index_cast %parallel_loop3A_464 : i32 to index
      %parallel_loop3A_492 = arith.constant 32 : index
      %parallel_loop3A_493 = tpu.vector_load %arg6[%parallel_loop3A_490, %parallel_loop3A_491, %parallel_loop3A_492] {strides = array<i32>} : memref<2x256x64xf32, #tpu.memory_space<vmem>>, vector<16xf32>,
      %parallel_loop3A_494 = arith.constant 0 : i32
      %parallel_loop3A_495 = arith.constant 0 : i32
      %parallel_loop3A_496 = arith.constant 0 : i32
      %parallel_loop3A_497 = tpu.memref_slice %arg7[%parallel_loop3A_494, %parallel_loop3A_495, %parallel_loop3A_496] : memref<2x64x257xf32, #tpu.memory_space<vmem>> -> memref<1x64x257xf32, #tpu.memory_space<vmem>>
      %parallel_loop3A_498 = tpu.memref_squeeze %parallel_loop3A_497 : memref<1x64x257xf32, #tpu.memory_space<vmem>> -> memref<64x257xf32, #tpu.memory_space<vmem>>
      tpu.vector_store_idx %parallel_loop3A_498[%add3A_13, %parallel_loop3A_468], %parallel_loop3A_493 : memref<64x257xf32, #tpu.memory_space<vmem>>[vector<16xi32>, vector<16xi32>], vector<16xf32>,
      %parallel_loop3A_499 = arith.constant 0 : i32
      %parallel_loop3A_500 = arith.index_cast %parallel_loop3A_499 : i32 to index
      %parallel_loop3A_501 = arith.index_cast %parallel_loop3A_464 : i32 to index
      %parallel_loop3A_502 = arith.constant 48 : index
      %parallel_loop3A_503 = tpu.vector_load %arg6[%parallel_loop3A_500, %parallel_loop3A_501, %parallel_loop3A_502] {strides = array<i32>} : memref<2x256x64xf32, #tpu.memory_space<vmem>>, vector<16xf32>,
      %parallel_loop3A_504 = arith.constant 0 : i32
      %parallel_loop3A_505 = arith.constant 0 : i32
      %parallel_loop3A_506 = arith.constant 0 : i32
      %parallel_loop3A_507 = tpu.memref_slice %arg7[%parallel_loop3A_504, %parallel_loop3A_505, %parallel_loop3A_506] : memref<2x64x257xf32, #tpu.memory_space<vmem>> -> memref<1x64x257xf32, #tpu.memory_space<vmem>>
      %parallel_loop3A_508 = tpu.memref_squeeze %parallel_loop3A_507 : memref<1x64x257xf32, #tpu.memory_space<vmem>> -> memref<64x257xf32, #tpu.memory_space<vmem>>
      tpu.vector_store_idx %parallel_loop3A_508[%add3A_17, %parallel_loop3A_468], %parallel_loop3A_503 : memref<64x257xf32, #tpu.memory_space<vmem>>[vector<16xi32>, vector<16xi32>], vector<16xf32>,
    } {sc.loop_unroll_factor = 2 : i64, sc.parallel_access}
    %add3A_311 = arith.constant 256 : i32
    %add3A_312 = arith.addi %mul3A_2, %add3A_311 : i32
    %dma_wait3A_313 = arith.constant 1 : i32
    %dma_wait3A_314 = arith.constant 24 : i32
    %dma_wait3A_315 = arith.constant 0 : i32
    %dma_wait3A_316 = arith.constant 0 : i32
    %dma_wait3A_317 = tpu.memref_slice %arg7[%dma_wait3A_313, %dma_wait3A_315, %dma_wait3A_316] : memref<2x64x257xf32, #tpu.memory_space<vmem>> -> memref<1x64x257xf32, #tpu.memory_space<vmem>>
    %dma_wait3A_318 = tpu.memref_squeeze %dma_wait3A_317 : memref<1x64x257xf32, #tpu.memory_space<vmem>> -> memref<64x257xf32, #tpu.memory_space<vmem>>
    %dma_wait3A_319 = arith.constant 0 : i32
    %dma_wait3A_320 = arith.constant 0 : i32
    %dma_wait3A_321 = tpu.memref_slice %dma_wait3A_318[%dma_wait3A_319, %dma_wait3A_320] : memref<64x257xf32, #tpu.memory_space<vmem>> -> memref<64x256xf32, #tpu.memory_space<vmem>>
    %dma_wait3A_322 = arith.constant 0 : i32
    %dma_wait3A_323 = tpu.memref_slice %arg4[%dma_wait3A_314, %dma_wait3A_322, %add3A_312] : memref<26x64x16384xf32, #tpu.memory_space<hbm>> -> memref<1x64x256xf32, #tpu.memory_space<hbm>>
    %dma_wait3A_324 = tpu.memref_squeeze %dma_wait3A_323 : memref<1x64x256xf32, #tpu.memory_space<hbm>> -> memref<64x256xf32, #tpu.memory_space<hbm>>
    %dma_wait3A_325 = arith.constant 0 : i32
    %dma_wait3A_326 = tpu.memref_slice %arg4[%dma_wait3A_314, %dma_wait3A_325, %add3A_312] : memref<26x64x16384xf32, #tpu.memory_space<hbm>> -> memref<1x64x256xf32, #tpu.memory_space<hbm>>
    %dma_wait3A_327 = tpu.memref_squeeze %dma_wait3A_326 : memref<1x64x256xf32, #tpu.memory_space<hbm>> -> memref<64x256xf32, #tpu.memory_space<hbm>>
    %dma_wait3A_328 = arith.constant 0 : i32
    %dma_wait3A_329 = arith.constant 0 : i32
    %dma_wait3A_330 = tpu.memref_slice %arg7[%dma_wait3A_313, %dma_wait3A_328, %dma_wait3A_329] : memref<2x64x257xf32, #tpu.memory_space<vmem>> -> memref<1x64x257xf32, #tpu.memory_space<vmem>>
    %dma_wait3A_331 = tpu.memref_squeeze %dma_wait3A_330 : memref<1x64x257xf32, #tpu.memory_space<vmem>> -> memref<64x257xf32, #tpu.memory_space<vmem>>
    %dma_wait3A_332 = arith.constant 0 : i32
    %dma_wait3A_333 = arith.constant 0 : i32
    %dma_wait3A_334 = tpu.memref_slice %dma_wait3A_331[%dma_wait3A_332, %dma_wait3A_333] : memref<64x257xf32, #tpu.memory_space<vmem>> -> memref<64x256xf32, #tpu.memory_space<vmem>>
    tpu.wait_dma2 semaphore(%arg11 : memref<!tpu.dma_semaphore, #tpu.memory_space<semaphore_mem>>) src(%dma_wait3A_334 : memref<64x256xf32, #tpu.memory_space<vmem>>) dst(%dma_wait3A_327 : memref<64x256xf32, #tpu.memory_space<hbm>>)
    %add3A_335 = arith.constant 0 : i32
    %add3A_336 = arith.addi %mul3A_2, %add3A_335 : i32
    %dma_start3A_337 = arith.constant 0 : i32
    %dma_start3A_338 = arith.constant 25 : i32
    %dma_start3A_339 = arith.constant 0 : i32
    %dma_start3A_340 = arith.constant 0 : i32
    %dma_start3A_341 = tpu.memref_slice %arg7[%dma_start3A_337, %dma_start3A_339, %dma_start3A_340] : memref<2x64x257xf32, #tpu.memory_space<vmem>> -> memref<1x64x257xf32, #tpu.memory_space<vmem>>
    %dma_start3A_342 = tpu.memref_squeeze %dma_start3A_341 : memref<1x64x257xf32, #tpu.memory_space<vmem>> -> memref<64x257xf32, #tpu.memory_space<vmem>>
    %dma_start3A_343 = arith.constant 0 : i32
    %dma_start3A_344 = arith.constant 0 : i32
    %dma_start3A_345 = tpu.memref_slice %dma_start3A_342[%dma_start3A_343, %dma_start3A_344] : memref<64x257xf32, #tpu.memory_space<vmem>> -> memref<64x256xf32, #tpu.memory_space<vmem>>
    %dma_start3A_346 = arith.constant 0 : i32
    %dma_start3A_347 = tpu.memref_slice %arg4[%dma_start3A_338, %dma_start3A_346, %add3A_336] : memref<26x64x16384xf32, #tpu.memory_space<hbm>> -> memref<1x64x256xf32, #tpu.memory_space<hbm>>
    %dma_start3A_348 = tpu.memref_squeeze %dma_start3A_347 : memref<1x64x256xf32, #tpu.memory_space<hbm>> -> memref<64x256xf32, #tpu.memory_space<hbm>>
    %dma_start3A_349 = arith.constant 0 : i32
    %dma_start3A_350 = tpu.memref_slice %arg4[%dma_start3A_338, %dma_start3A_349, %add3A_336] : memref<26x64x16384xf32, #tpu.memory_space<hbm>> -> memref<1x64x256xf32, #tpu.memory_space<hbm>>
    %dma_start3A_351 = tpu.memref_squeeze %dma_start3A_350 : memref<1x64x256xf32, #tpu.memory_space<hbm>> -> memref<64x256xf32, #tpu.memory_space<hbm>>
    %dma_start3A_352 = arith.constant 0 : i32
    %dma_start3A_353 = arith.constant 0 : i32
    %dma_start3A_354 = tpu.memref_slice %arg7[%dma_start3A_337, %dma_start3A_352, %dma_start3A_353] : memref<2x64x257xf32, #tpu.memory_space<vmem>> -> memref<1x64x257xf32, #tpu.memory_space<vmem>>
    %dma_start3A_355 = tpu.memref_squeeze %dma_start3A_354 : memref<1x64x257xf32, #tpu.memory_space<vmem>> -> memref<64x257xf32, #tpu.memory_space<vmem>>
    %dma_start3A_356 = arith.constant 0 : i32
    %dma_start3A_357 = arith.constant 0 : i32
    %dma_start3A_358 = tpu.memref_slice %dma_start3A_355[%dma_start3A_356, %dma_start3A_357] : memref<64x257xf32, #tpu.memory_space<vmem>> -> memref<64x256xf32, #tpu.memory_space<vmem>>
    tpu.enqueue_dma source(%dma_start3A_358 : memref<64x256xf32, #tpu.memory_space<vmem>>) target(%dma_start3A_351 : memref<64x256xf32, #tpu.memory_space<hbm>>) target_semaphore(%arg10 : memref<!tpu.dma_semaphore, #tpu.memory_space<semaphore_mem>>)
    %dma_wait3A_359 = arith.constant 25 : i32
    %dma_wait3A_360 = arith.constant 1 : i32
    %dma_wait3A_361 = arith.constant 0 : i32
    %dma_wait3A_362 = arith.constant 0 : i32
    %dma_wait3A_363 = tpu.memref_slice %arg6[%dma_wait3A_360, %dma_wait3A_361, %dma_wait3A_362] : memref<2x256x64xf32, #tpu.memory_space<vmem>> -> memref<1x256x64xf32, #tpu.memory_space<vmem>>
    %dma_wait3A_364 = tpu.memref_squeeze %dma_wait3A_363 : memref<1x256x64xf32, #tpu.memory_space<vmem>> -> memref<256x64xf32, #tpu.memory_space<vmem>>
    %dma_wait3A_365 = arith.constant 0 : i32
    %dma_wait3A_366 = arith.constant 0 : i32
    %dma_wait3A_367 = tpu.memref_slice %dma_wait3A_364[%dma_wait3A_365, %dma_wait3A_366] : memref<256x64xf32, #tpu.memory_space<vmem>> -> memref<128x64xf32, #tpu.memory_space<vmem>>
    %dma_wait3A_368 = arith.constant 256 : i32
    %dma_wait3A_369 = tpu.memref_slice %arg5[%dma_wait3A_359, %dma_wait3A_368] : memref<26x512xi32, #tpu.memory_space<vmem>> -> memref<1x128xi32, #tpu.memory_space<vmem>>
    %dma_wait3A_370 = tpu.memref_squeeze %dma_wait3A_369 : memref<1x128xi32, #tpu.memory_space<vmem>> -> memref<128xi32, #tpu.memory_space<vmem>>
    %dma_wait3A_371 = arith.constant 0 : i32
    %dma_wait3A_372 = arith.constant 0 : i32
    %dma_wait3A_373 = tpu.memref_slice %arg3[%dma_wait3A_371, %dma_wait3A_372] : memref<100000x64xf32, #tpu.memory_space<hbm>> -> memref<100000x64xf32, #tpu.memory_space<hbm>>
    tpu.wait_indirect_dma semaphore(%arg9 : memref<!tpu.dma_semaphore, #tpu.memory_space<semaphore_mem>>) src(%dma_wait3A_373 : memref<100000x64xf32, #tpu.memory_space<hbm>>) dst(%dma_wait3A_367 : memref<128x64xf32, #tpu.memory_space<vmem>>)
    %dma_wait3A_374 = arith.constant 25 : i32
    %dma_wait3A_375 = arith.constant 1 : i32
    %dma_wait3A_376 = arith.constant 0 : i32
    %dma_wait3A_377 = arith.constant 0 : i32
    %dma_wait3A_378 = tpu.memref_slice %arg6[%dma_wait3A_375, %dma_wait3A_376, %dma_wait3A_377] : memref<2x256x64xf32, #tpu.memory_space<vmem>> -> memref<1x256x64xf32, #tpu.memory_space<vmem>>
    %dma_wait3A_379 = tpu.memref_squeeze %dma_wait3A_378 : memref<1x256x64xf32, #tpu.memory_space<vmem>> -> memref<256x64xf32, #tpu.memory_space<vmem>>
    %dma_wait3A_380 = arith.constant 128 : i32
    %dma_wait3A_381 = arith.constant 0 : i32
    %dma_wait3A_382 = tpu.memref_slice %dma_wait3A_379[%dma_wait3A_380, %dma_wait3A_381] : memref<256x64xf32, #tpu.memory_space<vmem>> -> memref<128x64xf32, #tpu.memory_space<vmem>>
    %dma_wait3A_383 = arith.constant 384 : i32
    %dma_wait3A_384 = tpu.memref_slice %arg5[%dma_wait3A_374, %dma_wait3A_383] : memref<26x512xi32, #tpu.memory_space<vmem>> -> memref<1x128xi32, #tpu.memory_space<vmem>>
    %dma_wait3A_385 = tpu.memref_squeeze %dma_wait3A_384 : memref<1x128xi32, #tpu.memory_space<vmem>> -> memref<128xi32, #tpu.memory_space<vmem>>
    %dma_wait3A_386 = arith.constant 0 : i32
    %dma_wait3A_387 = arith.constant 0 : i32
    %dma_wait3A_388 = tpu.memref_slice %arg3[%dma_wait3A_386, %dma_wait3A_387] : memref<100000x64xf32, #tpu.memory_space<hbm>> -> memref<100000x64xf32, #tpu.memory_space<hbm>>
    tpu.wait_indirect_dma semaphore(%arg9 : memref<!tpu.dma_semaphore, #tpu.memory_space<semaphore_mem>>) src(%dma_wait3A_388 : memref<100000x64xf32, #tpu.memory_space<hbm>>) dst(%dma_wait3A_382 : memref<128x64xf32, #tpu.memory_space<vmem>>)
    %parallel_loop3A_389 = arith.constant 0 : i32
    %parallel_loop3A_390 = arith.constant 256 : i32
    %parallel_loop3A_391 = arith.constant 1 : i32
    scf.for %parallel_loop3A_464 = %parallel_loop3A_389 to %parallel_loop3A_390 step %parallel_loop3A_391  : i32 {
      %parallel_loop3A_465 = arith.constant 0 : i32
      %parallel_loop3A_466 = vector.broadcast %parallel_loop3A_465 : i32 to vector<16xi32>
      %parallel_loop3A_467 = vector.broadcast %parallel_loop3A_464 : i32 to vector<16xi32>
      %parallel_loop3A_468 = arith.addi %parallel_loop3A_466, %parallel_loop3A_467 : vector<16xi32>
      %parallel_loop3A_469 = arith.constant 1 : i32
      %parallel_loop3A_470 = arith.index_cast %parallel_loop3A_469 : i32 to index
      %parallel_loop3A_471 = arith.index_cast %parallel_loop3A_464 : i32 to index
      %parallel_loop3A_472 = arith.constant 0 : index
      %parallel_loop3A_473 = tpu.vector_load %arg6[%parallel_loop3A_470, %parallel_loop3A_471, %parallel_loop3A_472] {strides = array<i32>} : memref<2x256x64xf32, #tpu.memory_space<vmem>>, vector<16xf32>,
      %parallel_loop3A_474 = arith.constant 1 : i32
      %parallel_loop3A_475 = arith.constant 0 : i32
      %parallel_loop3A_476 = arith.constant 0 : i32
      %parallel_loop3A_477 = tpu.memref_slice %arg7[%parallel_loop3A_474, %parallel_loop3A_475, %parallel_loop3A_476] : memref<2x64x257xf32, #tpu.memory_space<vmem>> -> memref<1x64x257xf32, #tpu.memory_space<vmem>>
      %parallel_loop3A_478 = tpu.memref_squeeze %parallel_loop3A_477 : memref<1x64x257xf32, #tpu.memory_space<vmem>> -> memref<64x257xf32, #tpu.memory_space<vmem>>
      tpu.vector_store_idx %parallel_loop3A_478[%add3A_5, %parallel_loop3A_468], %parallel_loop3A_473 : memref<64x257xf32, #tpu.memory_space<vmem>>[vector<16xi32>, vector<16xi32>], vector<16xf32>,
      %parallel_loop3A_479 = arith.constant 1 : i32
      %parallel_loop3A_480 = arith.index_cast %parallel_loop3A_479 : i32 to index
      %parallel_loop3A_481 = arith.index_cast %parallel_loop3A_464 : i32 to index
      %parallel_loop3A_482 = arith.constant 16 : index
      %parallel_loop3A_483 = tpu.vector_load %arg6[%parallel_loop3A_480, %parallel_loop3A_481, %parallel_loop3A_482] {strides = array<i32>} : memref<2x256x64xf32, #tpu.memory_space<vmem>>, vector<16xf32>,
      %parallel_loop3A_484 = arith.constant 1 : i32
      %parallel_loop3A_485 = arith.constant 0 : i32
      %parallel_loop3A_486 = arith.constant 0 : i32
      %parallel_loop3A_487 = tpu.memref_slice %arg7[%parallel_loop3A_484, %parallel_loop3A_485, %parallel_loop3A_486] : memref<2x64x257xf32, #tpu.memory_space<vmem>> -> memref<1x64x257xf32, #tpu.memory_space<vmem>>
      %parallel_loop3A_488 = tpu.memref_squeeze %parallel_loop3A_487 : memref<1x64x257xf32, #tpu.memory_space<vmem>> -> memref<64x257xf32, #tpu.memory_space<vmem>>
      tpu.vector_store_idx %parallel_loop3A_488[%add3A_9, %parallel_loop3A_468], %parallel_loop3A_483 : memref<64x257xf32, #tpu.memory_space<vmem>>[vector<16xi32>, vector<16xi32>], vector<16xf32>,
      %parallel_loop3A_489 = arith.constant 1 : i32
      %parallel_loop3A_490 = arith.index_cast %parallel_loop3A_489 : i32 to index
      %parallel_loop3A_491 = arith.index_cast %parallel_loop3A_464 : i32 to index
      %parallel_loop3A_492 = arith.constant 32 : index
      %parallel_loop3A_493 = tpu.vector_load %arg6[%parallel_loop3A_490, %parallel_loop3A_491, %parallel_loop3A_492] {strides = array<i32>} : memref<2x256x64xf32, #tpu.memory_space<vmem>>, vector<16xf32>,
      %parallel_loop3A_494 = arith.constant 1 : i32
      %parallel_loop3A_495 = arith.constant 0 : i32
      %parallel_loop3A_496 = arith.constant 0 : i32
      %parallel_loop3A_497 = tpu.memref_slice %arg7[%parallel_loop3A_494, %parallel_loop3A_495, %parallel_loop3A_496] : memref<2x64x257xf32, #tpu.memory_space<vmem>> -> memref<1x64x257xf32, #tpu.memory_space<vmem>>
      %parallel_loop3A_498 = tpu.memref_squeeze %parallel_loop3A_497 : memref<1x64x257xf32, #tpu.memory_space<vmem>> -> memref<64x257xf32, #tpu.memory_space<vmem>>
      tpu.vector_store_idx %parallel_loop3A_498[%add3A_13, %parallel_loop3A_468], %parallel_loop3A_493 : memref<64x257xf32, #tpu.memory_space<vmem>>[vector<16xi32>, vector<16xi32>], vector<16xf32>,
      %parallel_loop3A_499 = arith.constant 1 : i32
      %parallel_loop3A_500 = arith.index_cast %parallel_loop3A_499 : i32 to index
      %parallel_loop3A_501 = arith.index_cast %parallel_loop3A_464 : i32 to index
      %parallel_loop3A_502 = arith.constant 48 : index
      %parallel_loop3A_503 = tpu.vector_load %arg6[%parallel_loop3A_500, %parallel_loop3A_501, %parallel_loop3A_502] {strides = array<i32>} : memref<2x256x64xf32, #tpu.memory_space<vmem>>, vector<16xf32>,
      %parallel_loop3A_504 = arith.constant 1 : i32
      %parallel_loop3A_505 = arith.constant 0 : i32
      %parallel_loop3A_506 = arith.constant 0 : i32
      %parallel_loop3A_507 = tpu.memref_slice %arg7[%parallel_loop3A_504, %parallel_loop3A_505, %parallel_loop3A_506] : memref<2x64x257xf32, #tpu.memory_space<vmem>> -> memref<1x64x257xf32, #tpu.memory_space<vmem>>
      %parallel_loop3A_508 = tpu.memref_squeeze %parallel_loop3A_507 : memref<1x64x257xf32, #tpu.memory_space<vmem>> -> memref<64x257xf32, #tpu.memory_space<vmem>>
      tpu.vector_store_idx %parallel_loop3A_508[%add3A_17, %parallel_loop3A_468], %parallel_loop3A_503 : memref<64x257xf32, #tpu.memory_space<vmem>>[vector<16xi32>, vector<16xi32>], vector<16xf32>,
    } {sc.loop_unroll_factor = 2 : i64, sc.parallel_access}
    %add3A_392 = arith.constant 256 : i32
    %add3A_393 = arith.addi %mul3A_2, %add3A_392 : i32
    %dma_start3A_394 = arith.constant 1 : i32
    %dma_start3A_395 = arith.constant 25 : i32
    %dma_start3A_396 = arith.constant 0 : i32
    %dma_start3A_397 = arith.constant 0 : i32
    %dma_start3A_398 = tpu.memref_slice %arg7[%dma_start3A_394, %dma_start3A_396, %dma_start3A_397] : memref<2x64x257xf32, #tpu.memory_space<vmem>> -> memref<1x64x257xf32, #tpu.memory_space<vmem>>
    %dma_start3A_399 = tpu.memref_squeeze %dma_start3A_398 : memref<1x64x257xf32, #tpu.memory_space<vmem>> -> memref<64x257xf32, #tpu.memory_space<vmem>>
    %dma_start3A_400 = arith.constant 0 : i32
    %dma_start3A_401 = arith.constant 0 : i32
    %dma_start3A_402 = tpu.memref_slice %dma_start3A_399[%dma_start3A_400, %dma_start3A_401] : memref<64x257xf32, #tpu.memory_space<vmem>> -> memref<64x256xf32, #tpu.memory_space<vmem>>
    %dma_start3A_403 = arith.constant 0 : i32
    %dma_start3A_404 = tpu.memref_slice %arg4[%dma_start3A_395, %dma_start3A_403, %add3A_393] : memref<26x64x16384xf32, #tpu.memory_space<hbm>> -> memref<1x64x256xf32, #tpu.memory_space<hbm>>
    %dma_start3A_405 = tpu.memref_squeeze %dma_start3A_404 : memref<1x64x256xf32, #tpu.memory_space<hbm>> -> memref<64x256xf32, #tpu.memory_space<hbm>>
    %dma_start3A_406 = arith.constant 0 : i32
    %dma_start3A_407 = tpu.memref_slice %arg4[%dma_start3A_395, %dma_start3A_406, %add3A_393] : memref<26x64x16384xf32, #tpu.memory_space<hbm>> -> memref<1x64x256xf32, #tpu.memory_space<hbm>>
    %dma_start3A_408 = tpu.memref_squeeze %dma_start3A_407 : memref<1x64x256xf32, #tpu.memory_space<hbm>> -> memref<64x256xf32, #tpu.memory_space<hbm>>
    %dma_start3A_409 = arith.constant 0 : i32
    %dma_start3A_410 = arith.constant 0 : i32
    %dma_start3A_411 = tpu.memref_slice %arg7[%dma_start3A_394, %dma_start3A_409, %dma_start3A_410] : memref<2x64x257xf32, #tpu.memory_space<vmem>> -> memref<1x64x257xf32, #tpu.memory_space<vmem>>
    %dma_start3A_412 = tpu.memref_squeeze %dma_start3A_411 : memref<1x64x257xf32, #tpu.memory_space<vmem>> -> memref<64x257xf32, #tpu.memory_space<vmem>>
    %dma_start3A_413 = arith.constant 0 : i32
    %dma_start3A_414 = arith.constant 0 : i32
    %dma_start3A_415 = tpu.memref_slice %dma_start3A_412[%dma_start3A_413, %dma_start3A_414] : memref<64x257xf32, #tpu.memory_space<vmem>> -> memref<64x256xf32, #tpu.memory_space<vmem>>
    tpu.enqueue_dma source(%dma_start3A_415 : memref<64x256xf32, #tpu.memory_space<vmem>>) target(%dma_start3A_408 : memref<64x256xf32, #tpu.memory_space<hbm>>) target_semaphore(%arg11 : memref<!tpu.dma_semaphore, #tpu.memory_space<semaphore_mem>>)
    %add3A_416 = arith.constant 0 : i32
    %add3A_417 = arith.addi %mul3A_2, %add3A_416 : i32
    %dma_wait3A_418 = arith.constant 0 : i32
    %dma_wait3A_419 = arith.constant 25 : i32
    %dma_wait3A_420 = arith.constant 0 : i32
    %dma_wait3A_421 = arith.constant 0 : i32
    %dma_wait3A_422 = tpu.memref_slice %arg7[%dma_wait3A_418, %dma_wait3A_420, %dma_wait3A_421] : memref<2x64x257xf32, #tpu.memory_space<vmem>> -> memref<1x64x257xf32, #tpu.memory_space<vmem>>
    %dma_wait3A_423 = tpu.memref_squeeze %dma_wait3A_422 : memref<1x64x257xf32, #tpu.memory_space<vmem>> -> memref<64x257xf32, #tpu.memory_space<vmem>>
    %dma_wait3A_424 = arith.constant 0 : i32
    %dma_wait3A_425 = arith.constant 0 : i32
    %dma_wait3A_426 = tpu.memref_slice %dma_wait3A_423[%dma_wait3A_424, %dma_wait3A_425] : memref<64x257xf32, #tpu.memory_space<vmem>> -> memref<64x256xf32, #tpu.memory_space<vmem>>
    %dma_wait3A_427 = arith.constant 0 : i32
    %dma_wait3A_428 = tpu.memref_slice %arg4[%dma_wait3A_419, %dma_wait3A_427, %add3A_417] : memref<26x64x16384xf32, #tpu.memory_space<hbm>> -> memref<1x64x256xf32, #tpu.memory_space<hbm>>
    %dma_wait3A_429 = tpu.memref_squeeze %dma_wait3A_428 : memref<1x64x256xf32, #tpu.memory_space<hbm>> -> memref<64x256xf32, #tpu.memory_space<hbm>>
    %dma_wait3A_430 = arith.constant 0 : i32
    %dma_wait3A_431 = tpu.memref_slice %arg4[%dma_wait3A_419, %dma_wait3A_430, %add3A_417] : memref<26x64x16384xf32, #tpu.memory_space<hbm>> -> memref<1x64x256xf32, #tpu.memory_space<hbm>>
    %dma_wait3A_432 = tpu.memref_squeeze %dma_wait3A_431 : memref<1x64x256xf32, #tpu.memory_space<hbm>> -> memref<64x256xf32, #tpu.memory_space<hbm>>
    %dma_wait3A_433 = arith.constant 0 : i32
    %dma_wait3A_434 = arith.constant 0 : i32
    %dma_wait3A_435 = tpu.memref_slice %arg7[%dma_wait3A_418, %dma_wait3A_433, %dma_wait3A_434] : memref<2x64x257xf32, #tpu.memory_space<vmem>> -> memref<1x64x257xf32, #tpu.memory_space<vmem>>
    %dma_wait3A_436 = tpu.memref_squeeze %dma_wait3A_435 : memref<1x64x257xf32, #tpu.memory_space<vmem>> -> memref<64x257xf32, #tpu.memory_space<vmem>>
    %dma_wait3A_437 = arith.constant 0 : i32
    %dma_wait3A_438 = arith.constant 0 : i32
    %dma_wait3A_439 = tpu.memref_slice %dma_wait3A_436[%dma_wait3A_437, %dma_wait3A_438] : memref<64x257xf32, #tpu.memory_space<vmem>> -> memref<64x256xf32, #tpu.memory_space<vmem>>
    tpu.wait_dma2 semaphore(%arg10 : memref<!tpu.dma_semaphore, #tpu.memory_space<semaphore_mem>>) src(%dma_wait3A_439 : memref<64x256xf32, #tpu.memory_space<vmem>>) dst(%dma_wait3A_432 : memref<64x256xf32, #tpu.memory_space<hbm>>)
    %add3A_440 = arith.constant 256 : i32
    %add3A_441 = arith.addi %mul3A_2, %add3A_440 : i32
    %dma_wait3A_442 = arith.constant 1 : i32
    %dma_wait3A_443 = arith.constant 25 : i32
    %dma_wait3A_444 = arith.constant 0 : i32
    %dma_wait3A_445 = arith.constant 0 : i32
    %dma_wait3A_446 = tpu.memref_slice %arg7[%dma_wait3A_442, %dma_wait3A_444, %dma_wait3A_445] : memref<2x64x257xf32, #tpu.memory_space<vmem>> -> memref<1x64x257xf32, #tpu.memory_space<vmem>>
    %dma_wait3A_447 = tpu.memref_squeeze %dma_wait3A_446 : memref<1x64x257xf32, #tpu.memory_space<vmem>> -> memref<64x257xf32, #tpu.memory_space<vmem>>
    %dma_wait3A_448 = arith.constant 0 : i32
    %dma_wait3A_449 = arith.constant 0 : i32
    %dma_wait3A_450 = tpu.memref_slice %dma_wait3A_447[%dma_wait3A_448, %dma_wait3A_449] : memref<64x257xf32, #tpu.memory_space<vmem>> -> memref<64x256xf32, #tpu.memory_space<vmem>>
    %dma_wait3A_451 = arith.constant 0 : i32
    %dma_wait3A_452 = tpu.memref_slice %arg4[%dma_wait3A_443, %dma_wait3A_451, %add3A_441] : memref<26x64x16384xf32, #tpu.memory_space<hbm>> -> memref<1x64x256xf32, #tpu.memory_space<hbm>>
    %dma_wait3A_453 = tpu.memref_squeeze %dma_wait3A_452 : memref<1x64x256xf32, #tpu.memory_space<hbm>> -> memref<64x256xf32, #tpu.memory_space<hbm>>
    %dma_wait3A_454 = arith.constant 0 : i32
    %dma_wait3A_455 = tpu.memref_slice %arg4[%dma_wait3A_443, %dma_wait3A_454, %add3A_441] : memref<26x64x16384xf32, #tpu.memory_space<hbm>> -> memref<1x64x256xf32, #tpu.memory_space<hbm>>
    %dma_wait3A_456 = tpu.memref_squeeze %dma_wait3A_455 : memref<1x64x256xf32, #tpu.memory_space<hbm>> -> memref<64x256xf32, #tpu.memory_space<hbm>>
    %dma_wait3A_457 = arith.constant 0 : i32
    %dma_wait3A_458 = arith.constant 0 : i32
    %dma_wait3A_459 = tpu.memref_slice %arg7[%dma_wait3A_442, %dma_wait3A_457, %dma_wait3A_458] : memref<2x64x257xf32, #tpu.memory_space<vmem>> -> memref<1x64x257xf32, #tpu.memory_space<vmem>>
    %dma_wait3A_460 = tpu.memref_squeeze %dma_wait3A_459 : memref<1x64x257xf32, #tpu.memory_space<vmem>> -> memref<64x257xf32, #tpu.memory_space<vmem>>
    %dma_wait3A_461 = arith.constant 0 : i32
    %dma_wait3A_462 = arith.constant 0 : i32
    %dma_wait3A_463 = tpu.memref_slice %dma_wait3A_460[%dma_wait3A_461, %dma_wait3A_462] : memref<64x257xf32, #tpu.memory_space<vmem>> -> memref<64x256xf32, #tpu.memory_space<vmem>>
    tpu.wait_dma2 semaphore(%arg11 : memref<!tpu.dma_semaphore, #tpu.memory_space<semaphore_mem>>) src(%dma_wait3A_463 : memref<64x256xf32, #tpu.memory_space<vmem>>) dst(%dma_wait3A_456 : memref<64x256xf32, #tpu.memory_space<hbm>>)
    return
  }
}

</mosaic_0001>

<sc_bundles>
// kernel: kernel.3.cloned.1.call-start
scs
__scs_entry_jumppad:
0x0: {  	(pc) =	sbr.rel $0x88, $3  }
0x1: {  	(tag) =	ssettag $0x0;
	lr =	simm.s32 $0x1  }
0x2: {  	[smem:$0x3F9F] =	sst lr;
	_ =	strace $0xD0000000  }
0x3: {  	_ = 	snop  }
0x4: {  	_ = 	snop  }
0x5: {  	_ = 	snop  }
0x6: {  	_ = 	snop  }
0x7: {  	_ = 	snop  }
__scs_overlays_trampoline_lowered:
0x8: {  	[smem:$0x3FAE] =	sst s0  }
0x9: {  	[smem:$0x3FAF] =	sst s1  }
0xa: {  	[smem:$0x3FB0] =	sst s2  }
0xb: {  	[smem:$0x3FB1] =	sst s3  }
0xc: {  	[smem:$0x3FB2] =	sst s4  }
0xd: {  	[smem:$0x3FB3] =	sst s5  }
0xe: {  	[smem:$0x3FB4] =	sst s6  }
0xf: {  	[smem:$0x3FB5] =	sst s7  }
0x10: {  	[smem:$0x3FB6] =	sst s8  }
0x11: {  	[smem:$0x3FB7] =	sst s9;
	s0 =	simm.s32 @!p0 $0x0  }
0x12: {  	s1 =	sld [smem:$0x3F9D];
	s0 =	simm.s32 @p0 $0x1  }
0x13: {  	[smem:$0x3FB8] =	sst s0;
	s0 =	simm.s32 @!p1 $0x0  }
0x14: {  	s2 =	sld [smem:$0x3F9C];
	s0 =	simm.s32 @p1 $0x1  }
0x15: {  	[smem:$0x3FB9] =	sst s0;
	s0 =	simm.s32 @!p2 $0x0  }
0x16: {  	s3 =	sld [smem:$0x3FDB];
	s0 =	simm.s32 @p2 $0x1  }
0x17: {  	s4 =	simm.s32 $0x1BF5;
	[smem:$0x3FBB] =	sst s0  }
0x18: {  	s0 =	sld [smem:$0x3F9E];
	_ =	swait.ge [sflag:s4], $0x0  }
0x19: {  	s7 =	sld [smem:$0x3F9F]  }
0x1a: {  	s8 =	sadd.s32 $0xFFFFE003, lr  }
0x1b: {  	s9 =	sadd.s32 $0xFFFFFEF7, lr;
	s5 =	simm.s32 $0xFFFFFFFF;
	p2 =	slt.u32 s8, $0xFFFFF086  }
0x1c: {  	p1 =	slt.u32 s9, $0xF7A;
	s5 =	simm.s32 @!p2 $0x0  }
0x1d: {  	s5 =	simm.s32 @p1 $0x1;
	p0 =	seq.s32 s7, s2  }
0x1e: {  	s7 =	smul.u32 @!p0 $0xF7A, s2;
	p2 =	seq.s32 @!p0 s5, $0x0  }
0x1f: {  	s9 =	smul.u32 $0xF7A, s1;
	s8 =	simm.s32 @!p0 $0x1BF5;
	p2 =	por !p2, p0  }
0x20: {  	[sflag:s8] =	ssyncset.s32 @!p0 $0xFFFFF086;
	s6 =	sadd.s32 @!p0 s3, s7;
	s7 =	simm.s32 @!p0 $0x108  }
0x21: {  	s3 =	sadd.s32 s3, s9;
	s6 =	sadd.s32 @!p0 $0x88, s6;
	s7 =	simm.s32 @p2 $0x1082  }
0x22: {  	[simem:s7], [sflag:s8] =	dma.local @!p0 [hbm:s6], $0xF7A  }
0x23: {  	s9 =	sor.u32 $0xD0000000, s2;
	s6 =	simm.s32 $0x108;
	_ =	swait.ge @!p0 [sflag:s8], $0x0  }
0x24: {  	s3 =	sadd.s32 $0x88, s3;
	s6 =	simm.s32 @!p1 $0x1082;
	[sflag:s4] =	ssyncset.s32 $0xFFFFF086  }
0x25: {  	[simem:s6], [sflag:s4] =	dma.local [hbm:s3], $0xF7A  }
0x26: {  	[smem:$0x3F9F] =	sst s1;
	(tag) =	ssettag s2;
	_ =	strace s9  }
0x27: {  	s1 =	sld [smem:$0x3FAF]  }
0x28: {  	s2 =	sld [smem:$0x3FB0]  }
0x29: {  	s4 =	sld [smem:$0x3FB2]  }
0x2a: {  	p0 =	seq.s32 s5, $0x0;
	s5 =	sld [smem:$0x3FB3]  }
0x2b: {  	s6 =	sld [smem:$0x3FB4]  }
0x2c: {  	s7 =	sld [smem:$0x3FB5]  }
0x2d: {  	s3 =	simm.s32 $0x108;
	s8 =	sld [smem:$0x3FB6]  }
0x2e: {  	s3 =	simm.s32 @!p0 $0x1082;
	s9 =	sld [smem:$0x3FB7]  }
0x2f: {  	lr =	sadd.s32 s0, s3;
	s0 =	sld [smem:$0x3FAE]  }
0x30: {  	s3 =	sld [smem:$0x3FB1]  }
0x31: {  	[smem:$0x3FBA] =	sst s10  }
0x32: {  	s10 =	sld [smem:$0x3FB8];
	_ =	sdelay $0x3  }
0x33: {  	p0 =	seq.s32 s10, $0x1;
	s10 =	sld [smem:$0x3FBA];
	_ =	sdelay $0x3  }
0x34: {  	[smem:$0x3FBA] =	sst s10  }
0x35: {  	s10 =	sld [smem:$0x3FB9];
	_ =	sdelay $0x3  }
0x36: {  	p1 =	seq.s32 s10, $0x1;
	s10 =	sld [smem:$0x3FBA];
	_ =	sdelay $0x3  }
0x37: {  	[smem:$0x3FBA] =	sst s10  }
0x38: {  	s10 =	sld [smem:$0x3FBB]  }
0x39: {  	_ = 	snop;
	(pc) =	sbr.ind lr, $3  }
0x3a: {  	_ = 	snop  }
0x3b: {  	_ = 	snop  }
0x3c: {  	p2 =	seq.s32 s10, $0x1;
	s10 =	sld [smem:$0x3FBA]  }
0x3d: {  	_ =	shalt  }
0x3e: {  	_ =	shalt  }
0x3f: {  	_ =	shalt  }
0x40: {  	_ =	shalt  }
0x41: {  	_ =	shalt  }
0x42: {  	_ =	shalt  }
0x43: {  	_ =	shalt  }
0x44: {  	_ =	shalt  }
0x45: {  	_ =	shalt  }
0x46: {  	_ =	shalt  }
0x47: {  	_ =	shalt  }
0x48: {  	_ =	shalt  }
0x49: {  	_ =	shalt  }
0x4a: {  	_ =	shalt  }
0x4b: {  	_ =	shalt  }
0x4c: {  	_ =	shalt  }
0x4d: {  	_ =	shalt  }
0x4e: {  	_ =	shalt  }
0x4f: {  	_ =	shalt  }
0x50: {  	_ =	shalt  }
0x51: {  	_ =	shalt  }
0x52: {  	_ =	shalt  }
0x53: {  	_ =	shalt  }
0x54: {  	_ =	shalt  }
0x55: {  	_ =	shalt  }
0x56: {  	_ =	shalt  }
0x57: {  	_ =	shalt  }
0x58: {  	_ =	shalt  }
0x59: {  	_ =	shalt  }
0x5a: {  	_ =	shalt  }
0x5b: {  	_ =	shalt  }
0x5c: {  	_ =	shalt  }
0x5d: {  	_ =	shalt  }
0x5e: {  	_ =	shalt  }
0x5f: {  	_ =	shalt  }
0x60: {  	_ =	shalt  }
0x61: {  	_ =	shalt  }
0x62: {  	_ =	shalt  }
0x63: {  	_ =	shalt  }
0x64: {  	_ =	shalt  }
0x65: {  	_ =	shalt  }
0x66: {  	_ =	shalt  }
0x67: {  	_ =	shalt  }
0x68: {  	_ =	shalt  }
0x69: {  	_ =	shalt  }
0x6a: {  	_ =	shalt  }
0x6b: {  	_ =	shalt  }
0x6c: {  	_ =	shalt  }
0x6d: {  	_ =	shalt  }
0x6e: {  	_ =	shalt  }
0x6f: {  	_ =	shalt  }
0x70: {  	_ =	shalt  }
0x71: {  	_ =	shalt  }
0x72: {  	_ =	shalt  }
0x73: {  	_ =	shalt  }
0x74: {  	_ =	shalt  }
0x75: {  	_ =	shalt  }
0x76: {  	_ =	shalt  }
0x77: {  	_ =	shalt  }
0x78: {  	_ =	shalt  }
0x79: {  	_ =	shalt  }
0x7a: {  	_ =	shalt  }
0x7b: {  	_ =	shalt  }
0x7c: {  	_ =	shalt  }
0x7d: {  	_ =	shalt  }
0x7e: {  	_ =	shalt  }
0x7f: {  	_ =	shalt  }
0x80: {  	_ =	shalt  }
0x81: {  	_ =	shalt  }
0x82: {  	_ =	shalt  }
0x83: {  	_ =	shalt  }
0x84: {  	_ =	shalt  }
0x85: {  	_ =	shalt  }
0x86: {  	_ =	shalt  }
0x87: {  	_ =	shalt  }
.Lfunc_end0:
.L_simem_size_0:
called_computation_lowered:
.L_overlay_start_0:
0x88: {  	s2 =	sld [smem:$0x3FD9]  }
0x89: {  	s3 =	sld [smem:$0x3FFE];
	_ =	sdelay $0x1  }
0x8a: {  	s1 =	srdreg.scid  }
0x8b: {  	s0 =	sand.u32 $0x1, s1  }
0x8c: {  	s16 =	sshll.u32 s0, $0xA;
	s2 =	sadd.s32 s3, s2  }
0x8d: {  	s2 =	sadd.s32 s2, s16  }
0x8e: {  	[smem:$0x3FC6] =	sst s2  }
0x8f: {  	_ = 	snop  }
0x90: {  	(tm) =	ssettm $0x1  }
0x91: {  	s17 =	sld [smem:$0x3FFB];
	_ =	sdelay $0x3  }
0x92: {  	_ =	strace s17  }
0x93: {  	s2 =	sld [smem:$0x3FFC];
	_ =	sdelay $0x3  }
0x94: {  	_ =	strace s2  }
0x95: {  	s2 =	sld [smem:$0x3FFD];
	_ =	sdelay $0x3  }
0x96: {  	_ =	strace s2  }
0x97: {  	_ =	strace $0x8FFFFFFF  }
0x98: {  	s18 =	sld [smem:$0x3FDB];
	_ =	sdelay $0x1  }
0x99: {  	s19 =	simm.s32 $_scs_section_size  }
0x9a: {  	s4 =	simm.s32 $_size__tile_overlayer_lowered;
	s5 =	simm.s32 $_tile_overlayer_lowered  }
0x9b: {  	s22 =	simm.s32 $0x1BFF;
	s21 =	sshll.u32 s5, $0x1;
	s2 =	sadd.s32 s19, s18  }
0x9c: {  	s6 =	simm.s32 $0x0;
	s20 =	sshll.u32 s4, $0x1;
	s4 =	sadd.s32 s21, s2  }
0x9d: {  	[timem:s6], [sflag:s22] =	dma.local [hbm:s4], s20  }
0x9e: {  	_ =	swait.ge [sflag:s22], s20  }
0x9f: {  	s3 =	ssub.s32 $0x0, s20;
	[sflag:s22] =	ssyncset.done $0x0  }
0xa0: {  	[sflag:s22] =	ssyncadd.s32 s3;
	_ =	sdelay $0x1  }
0xa1: {  	s23 =	simm.s32 $0x1B8B  }
0xa2: {  	_ =	swait.ge [sflag:s23], $0x1  }
0xa3: {  	[sflag:s23] =	ssyncset.done $0x0  }
0xa4: {  	s25 =	simm.s32 $0x1B8E;
	s24 =	sld [smem:$0x3FFE];
	[sflag:s23] =	ssyncadd.s32 $0xFFFFFFFF  }
0xa5: {  	s26 =	simm.s32 $execute0_lowered;
	[smem:$0x3FD2] =	sst s25  }
0xa6: {  	s4 =	sshll.u32 s26, $0x1;
	_ =	strace $0x80000046;
	[dreg:$0x1] =	wrdreg $0xFFFFFFFF  }
0xa7: {  	s28 =	simm.s32 $_size_execute0_lowered;
	s2 =	sadd.s32 s2, s4;
	[dreg:$0x0] =	wrdreg $0x0  }
0xa8: {  	s4 =	sshll.u32 s28, $0x1;
	[dreg:$0x2] =	wrdreg s2  }
0xa9: {  	[dreg:$0x3] =	wrdreg s4  }
0xaa: {  	[dreg:$0x4] =	wrdreg $0xC0  }
0xab: {  	_ =	task [dreg:s6], $0x5FFFF  }
0xac: {  	[dreg:$0x1] =	wrdreg $0xFFFFFFFF  }
0xad: {  	[dreg:$0x0] =	wrdreg $0x60  }
0xae: {  	[dreg:$0x2] =	wrdreg s24  }
0xaf: {  	[dreg:$0x3] =	wrdreg $0x9  }
0xb0: {  	_ =	task.clear_ibuf [dreg:s6], $0x4FFFF;
	_ =	strace $0x90000046  }
0xb1: {  	s29 =	simm.s32 $0x9;
	_ =	strace $0x80000048  }
0xb2: {  	_ =	swait.ge [sflag:s29], $0x1  }
0xb3: {  	[sflag:s29] =	ssyncadd.s32 $0xFFFFFFFF  }
0xb4: {  	_ =	strace $0x90000048  }
0xb5: {  	_ =	sfence  }
0xb6: {  	s30 =	sld [smem:$0x0];
	_ =	sdelay $0x2  }
0xb7: {  	s31 =	sshll.u32 s1, $0xD;
	s1 =	sshrl.u32 s1, $0x2  }
0xb8: {  	s3 =	sand.u32 $0x4000, s31;
	s1 =	sadd.s32 s1, s30  }
0xb9: {  	s0 =	sor.u32 s3, s0;
	s1 =	sshll.u32 s1, $0x11  }
0xba: {  	s0 =	sor.u32 s1, s0  }
0xbb: {  	s0 =	sadd.s32 $0x8F2B, s0  }
0xbc: {  	[sflag:s0] =	ssyncadd.remote.s32 $0x1  }
0xbd: {  	_ =	sfence.sel $0xFFFF  }
0xbe: {  	[dreg:$0x0] =	wrdreg $0xFFFFFFFF;
	(pc) =	sbr.abs _section_cstart, $3  }
0xbf: {  	[dreg:$0x1] =	wrdreg $0xFFFFFFFF  }
0xc0: {  	_ =	task.clear_ibuf [dreg:s6], $0x2FFFF;
	_ =	strace $0x9FFFFFFF  }
0xc1: {  	(tm) =	ssettm $0x7FFFFFFF  }
tec
execute0_lowered:
.L_overlay_start_1:
0x0: {  	(tag) =	ssettag $0x1  }
0x1: {  	s0 =	rddreg [dreg:$0x0]  }
0x2: {  	s1 =	srdreg.scid;
	s3 =	stileid.u32  }
0x3: {  	s2 =	simm.s32 $0x0;
	s15 =	simm.s32 $0x5;
	s16 =	simm.s32 $0x80  }
0x4: {  	s17 =	simm.s32 $0x3400;
	s18 =	simm.s32 $0x5400;
	s20 =	simm.s32 $0x7400  }
0x5: {  	s22 =	simm.s32 $0x9400;
	s23 =	simm.s32 $0x1;
	s24 =	simm.s32 $0xB400  }
0x6: {  	s28 =	simm.s32 $0xF600;
	s29 =	simm.s32 $0x3;
	s30 =	simm.s32 $0x4  }
0x7: {  	s1 =	sand.u32 $0x1, s1;
	s3 =	sshll.u32 s3, $0xA;
	[smem:$0x7FF] =	sst s2  }
0x8: {  	s5 =	sadd.s32 $0xD0A00, s0;
	s4 =	sshll.u32 s1, $0x9;
	s1 =	ssub.s32 $0x2, s1  }
0x9: {  	_ =	strace $0x80000047;
	s3 =	sor.u32 s4, s3;
	s6 =	sshrl.u32 s1, $0x1  }
0xa: {  	s4 =	sadd.s32 $0xD400, s0;
	s7 =	sshrl.u32 s3, $0x3;
	s25 =	ssub.s32 s1, s6  }
0xb: {  	v0 =	vlaneseq.u32;
	s6 =	sor.u32 $0x100, s3;
	s1 =	simm.s32 $0x0;
	s8 =	sadd.s32 s7, s0  }
0xc: {  	v0 =	vmul.u32 $0x108, v0;
	s31 =	sshrl.u32 s6, $0x3;
	s12 =	smax.u32 s25, $0x1;
	s26 =	sadd.s32 $0x400, s8  }
0xd: {  	s8 =	sadd.s32 s5, s7;
	s9 =	sadd.s32 s5, s31;
	[dreg:$0x2] =	wrdreg s26  }
0xe: {  	v1 =	vadd.s32 $0x1080, v0;
	v2 =	vadd.s32 $0x2100, v0;
	v3 =	vadd.s32 $0x3180, v0;
	s10 =	sadd.s32 $0x320000, s8;
	s11 =	sadd.s32 $0x320020, s8;
	s26 =	simm.s32 $0x2  }
.LBB2_1:
0xf: {  	s0 =	rddreg [dreg:$0x2];
	s7 =	simm.s32 $0x200;
	s13 =	simm.s32 $0x4000  }
0x10: {  	[tilespmem:s2], [sflag:$0x5] =	stream.strided.gather [hbm4b:s0+s7], $0x3400, s13, s7, $0x38;
	[tilespmem:$0x13800] =	vst v63  }
0x11: {  	_ =	swait.ge [sflag:s15], $0x3400  }
0x12: {  	[sflag:s15] =	ssyncset.done $0x0  }
0x13: {  	[sflag:s15] =	ssyncadd.s32 $0xFFFFCC00  }
0x14: {  	[tilespmem:s17], [sflag:$0x1] =	stream.indirect.gather [hbm4b:s4+s16], $0x40, s2, s16, $0xb8;
	[tilespmem:$0x13800] =	vst v63  }
0x15: {  	_ = 	snop  }
0x16: {  	[tilespmem:s18], [sflag:$0x1] =	stream.indirect.gather [hbm4b:s4+s16], $0x40, s16, s16, $0xb8;
	[tilespmem:$0x13800] =	vst v63  }
0x17: {  	s7 =	simm.s32 $0x100  }
0x18: {  	[tilespmem:s20], [sflag:$0x2] =	stream.indirect.gather [hbm4b:s4+s16], $0x40, s7, s16, $0xb8;
	[tilespmem:$0x13800] =	vst v63  }
0x19: {  	s13 =	simm.s32 $0x180  }
0x1a: {  	[tilespmem:s22], [sflag:$0x2] =	stream.indirect.gather [hbm4b:s4+s16], $0x40, s13, s16, $0xb8;
	[tilespmem:$0x13800] =	vst v63  }
0x1b: {  	_ =	swait.ge [sflag:s23], $0x2000  }
0x1c: {  	[sflag:s23] =	ssyncset.done $0x0  }
0x1d: {  	[sflag:s23] =	ssyncadd.s32 $0xFFFFE000  }
0x1e: {  	s14 =	simm.s32 $0x1;
	_ =	swait.ge [sflag:s23], $0x2000  }
0x1f: {  	v4 =	vmov s14;
	[sflag:s23] =	ssyncset.done $0x0  }
0x20: {  	v5 =	vmov s2;
	s0 =	simm.s32 $0x3440;
	v8 =	vand.u32 $0xFF, v4;
	[sflag:s23] =	ssyncadd.s32 $0xFFFFE000  }
0x21: {  	v11 =	vand.u32 $0xFE, v5;
	v5 =	vadd.s32 v0, v8;
	v4 =	vld [tilespmem:s0+$0x0]  }
0x22: {  	v7 =	vadd.s32 v0, v11;
	v6 =	vld [tilespmem:s0+$0xFFFFFFC0];
	_ =	sdelay $0x3  }
0x23: {  	s19 =	simm.s32 $0x3;
	[tilespmem:v5+s24+$0x0] =	vst.idx.msk $0xffff, v4  }
0x24: {  	s21 =	simm.s32 $0x2;
	v4 =	vmov s19;
	[tilespmem:v7+s24+$0x0] =	vst.idx.msk $0xffff, v6;
	v7 =	vadd.s32 v1, v8;
	v6 =	vld [tilespmem:s0+$0x10]  }
0x25: {  	s14 =	simm.s32 $0x34C0;
	v10 =	vadd.s32 v1, v11;
	v5 =	vmov s21;
	v4 =	vand.u32 $0xFF, v4;
	v9 =	vld [tilespmem:s0+$0xFFFFFFD0]  }
0x26: {  	v12 =	vld [tilespmem:s14+$0x0];
	v5 =	vand.u32 $0xFE, v5;
	v13 =	vadd.s32 v0, v4  }
0x27: {  	v14 =	vld [tilespmem:s14+$0xFFFFFFC0];
	v15 =	vadd.s32 v0, v5;
	_ =	sdelay $0x1  }
0x28: {  	[tilespmem:v7+s24+$0x0] =	vst.idx.msk $0xffff, v6  }
0x29: {  	[tilespmem:v10+s24+$0x0] =	vst.idx.msk $0xffff, v9;
	v9 =	vadd.s32 v2, v8;
	v7 =	vld [tilespmem:s0+$0x20]  }
0x2a: {  	[tilespmem:v13+s24+$0x0] =	vst.idx.msk $0xffff, v12;
	v10 =	vld [tilespmem:s0+$0xFFFFFFE0];
	v12 =	vadd.s32 v2, v11  }
0x2b: {  	s25 =	simm.s32 $0x5;
	[tilespmem:v15+s24+$0x0] =	vst.idx.msk $0xffff, v14;
	v14 =	vadd.s32 v1, v4;
	v13 =	vld [tilespmem:s14+$0x10]  }
0x2c: {  	s31 =	simm.s32 $0x4;
	v6 =	vmov s25  }
0x2d: {  	v17 =	vmov s31;
	s21 =	simm.s32 $0x3540;
	v18 =	vadd.s32 v1, v5;
	v6 =	vand.u32 $0xFF, v6;
	v15 =	vld [tilespmem:s14+$0xFFFFFFD0]  }
0x2e: {  	v19 =	vld [tilespmem:s21+$0x0];
	v20 =	vadd.s32 v0, v6;
	[tilespmem:v9+s24+$0x0] =	vst.idx.msk $0xffff, v7;
	v7 =	vand.u32 $0xFE, v17  }
0x2f: {  	v16 =	vld [tilespmem:s21+$0xFFFFFFC0];
	[tilespmem:v12+s24+$0x0] =	vst.idx.msk $0xffff, v10;
	v17 =	vadd.s32 v0, v7  }
0x30: {  	v9 =	vld [tilespmem:s0+$0x30];
	[tilespmem:v14+s24+$0x0] =	vst.idx.msk $0xffff, v13;
	v14 =	vadd.s32 v3, v8  }
0x31: {  	v12 =	vadd.s32 v3, v11;
	v10 =	vld [tilespmem:s0+$0xFFFFFFF0]  }
0x32: {  	s13 =	simm.s32 $0x7;
	v11 =	vadd.s32 v2, v4;
	[tilespmem:v18+s24+$0x0] =	vst.idx.msk $0xffff, v15;
	v8 =	vld [tilespmem:s14+$0x20]  }
0x33: {  	s19 =	simm.s32 $0x3540;
	s25 =	simm.s32 $0x6;
	s0 =	simm.s32 $0x8;
	[tilespmem:v20+s24+$0x0] =	vst.idx.msk $0xffff, v19;
	v15 =	vadd.s32 v2, v5;
	v13 =	vld [tilespmem:s14+$0xFFFFFFE0]  }
.LBB2_2:
0x34: {  	p0 =	slt.u32 s0, $0xFE;
	v18 =	vmov s13;
	[tilespmem:v17+s24+$0x0] =	vst.idx.msk $0xffff, v16;
	v19 =	vld [tilespmem:s21+$0x10];
	v20 =	vadd.s32 v1, v6  }
0x35: {  	v16 =	vmov s25;
	v22 =	vadd.s32 v1, v7;
	s21 =	sadd.s32 $0x80, s21;
	s25 =	smov.u32 s0;
	v18 =	vand.u32 $0xFF, v18;
	v21 =	vld [tilespmem:s19+$0xFFFFFFD0];
	[tilespmem:v14+s24+$0x0] =	vst.idx.msk $0xffff, v9  }
0x36: {  	v23 =	vand.u32 $0xFE, v16;
	v24 =	vld [tilespmem:s21+$0x0];
	v25 =	vadd.s32 v0, v18;
	[tilespmem:v12+s24+$0x0] =	vst.idx.msk $0xffff, v10  }
.Ltmp0:
0x37: {  	v17 =	vadd.s32 v0, v23;
	v16 =	vld [tilespmem:s21+$0xFFFFFFC0];
	[tilespmem:v11+s24+$0x0] =	vst.idx.msk $0xffff, v8;
	(pc) =	sbr.rel @p0 .LBB2_2-.Ltmp0, $4  }
0x38: {  	v14 =	vadd.s32 v3, v4;
	v4 =	vmov v6;
	v6 =	vmov v18;
	[tilespmem:v15+s24+$0x0] =	vst.idx.msk $0xffff, v13;
	v9 =	vld [tilespmem:s14+$0x30]  }
0x39: {  	v12 =	vadd.s32 v3, v5;
	v5 =	vmov v7;
	v7 =	vmov v23;
	[tilespmem:v20+s24+$0x0] =	vst.idx.msk $0xffff, v19;
	v10 =	vld [tilespmem:s14+$0xFFFFFFF0];
	s14 =	smov.u32 s19;
	s19 =	smov.u32 s21  }
0x3a: {  	v11 =	vadd.s32 v2, v4;
	[tilespmem:v22+s24+$0x0] =	vst.idx.msk $0xffff, v21;
	v8 =	vld [tilespmem:s14+$0x20]  }
0x3b: {  	s0 =	sadd.s32 $0x2, s0;
	s13 =	sadd.s32 $0x1, s25;
	v15 =	vadd.s32 v2, v5;
	[tilespmem:v25+s24+$0x0] =	vst.idx.msk $0xffff, v24;
	v13 =	vld [tilespmem:s14+$0xFFFFFFE0]  }
0x3c: {  	v18 =	vmov s13  }
0x3d: {  	v19 =	vmov s25;
	s0 =	sadd.s32 $0x80, s21;
	v18 =	vand.u32 $0xFF, v18  }
0x3e: {  	v19 =	vand.u32 $0xFE, v19;
	v20 =	vld [tilespmem:s0+$0x0];
	v21 =	vadd.s32 v0, v18  }
0x3f: {  	v22 =	vld [tilespmem:s0+$0xFFFFFFC0];
	v23 =	vadd.s32 v0, v19;
	_ =	sdelay $0x2  }
0x40: {  	[tilespmem:v17+s24+$0x0] =	vst.idx.msk $0xffff, v16;
	v41 =	vld [tilespmem:s21+$0x10];
	v42 =	vadd.s32 v1, v6  }
0x41: {  	v44 =	vadd.s32 v1, v7;
	v43 =	vld [tilespmem:s19+$0xFFFFFFD0];
	[tilespmem:v21+s24+$0x0] =	vst.idx.msk $0xffff, v20  }
0x42: {  	v46 =	vadd.s32 v1, v18;
	[tilespmem:v23+s24+$0x0] =	vst.idx.msk $0xffff, v22;
	v45 =	vld [tilespmem:s0+$0x10]  }
0x43: {  	[tilespmem:v14+s24+$0x0] =	vst.idx.msk $0xffff, v9;
	v48 =	vadd.s32 v1, v19;
	v47 =	vld [tilespmem:s0+$0xFFFFFFD0]  }
0x44: {  	[tilespmem:v12+s24+$0x0] =	vst.idx.msk $0xffff, v10  }
0x45: {  	[tilespmem:v42+s24+$0x0] =	vst.idx.msk $0xffff, v41  }
0x46: {  	v50 =	vadd.s32 v2, v6;
	[tilespmem:v44+s24+$0x0] =	vst.idx.msk $0xffff, v43;
	v49 =	vld [tilespmem:s19+$0x20]  }
0x47: {  	v52 =	vadd.s32 v2, v7;
	v51 =	vld [tilespmem:s19+$0xFFFFFFE0];
	[tilespmem:v46+s24+$0x0] =	vst.idx.msk $0xffff, v45  }
0x48: {  	v54 =	vadd.s32 v2, v18;
	[tilespmem:v48+s24+$0x0] =	vst.idx.msk $0xffff, v47;
	v53 =	vld [tilespmem:s0+$0x20]  }
0x49: {  	v56 =	vadd.s32 v2, v19;
	[tilespmem:v11+s24+$0x0] =	vst.idx.msk $0xffff, v8;
	v55 =	vld [tilespmem:s0+$0xFFFFFFE0]  }
0x4a: {  	v4 =	vadd.s32 v3, v4;
	[tilespmem:v15+s24+$0x0] =	vst.idx.msk $0xffff, v13;
	v57 =	vld [tilespmem:s14+$0x30]  }
0x4b: {  	v5 =	vadd.s32 v3, v5;
	v15 =	vld [tilespmem:s14+$0xFFFFFFF0];
	[tilespmem:v50+s24+$0x0] =	vst.idx.msk $0xffff, v49  }
0x4c: {  	v58 =	vadd.s32 v3, v6;
	[tilespmem:v52+s24+$0x0] =	vst.idx.msk $0xffff, v51;
	v10 =	vld [tilespmem:s19+$0x30]  }
0x4d: {  	v60 =	vadd.s32 v3, v7;
	v59 =	vld [tilespmem:s19+$0xFFFFFFF0];
	[tilespmem:v54+s24+$0x0] =	vst.idx.msk $0xffff, v53  }
0x4e: {  	v62 =	vadd.s32 v3, v18;
	[tilespmem:v56+s24+$0x0] =	vst.idx.msk $0xffff, v55;
	v61 =	vld [tilespmem:s0+$0x30]  }
0x4f: {  	v63 =	vadd.s32 v3, v19;
	[tilespmem:v4+s24+$0x0] =	vst.idx.msk $0xffff, v57;
	v4 =	vld [tilespmem:s0+$0xFFFFFFF0]  }
0x50: {  	[tilespmem:v5+s24+$0x0] =	vst.idx.msk $0xffff, v15  }
0x51: {  	[tilespmem:v58+s24+$0x0] =	vst.idx.msk $0xffff, v10  }
0x52: {  	[tilespmem:v60+s24+$0x0] =	vst.idx.msk $0xffff, v59  }
0x53: {  	[tilespmem:v62+s24+$0x0] =	vst.idx.msk $0xffff, v61  }
0x54: {  	s31 =	simm.s32 $0xB400;
	s7 =	smov.u32 s8;
	s0 =	simm.s32 $0x420;
	[tilespmem:v63+s24+$0x0] =	vst.idx.msk $0xffff, v4  }
0x55: {  	[hbm4b:s8+s2] =	stream.linear.scatter [tilespmem:s31], [sflag:$0x3], $0x100, $0x38;
	[tilespmem:$0x13800] =	vst v63  }
.LBB2_4:
0x56: {  	p0 =	sne.s32 s0, $0x103E0  }
.Ltmp1:
0x57: {  	_ = 	snop;
	(pc) =	sbr.rel @p0 .LBB2_4-.Ltmp1, $4  }
0x58: {  	_ = 	snop  }
0x59: {  	s13 =	sshra.s32 s0, $0x2;
	s0 =	sadd.s32 $0x420, s0  }
0x5a: {  	s7 =	sadd.s32 $0x800, s7;
	s13 =	sadd.s32 $0xB400, s13  }
0x5b: {  	[hbm4b:s7+s2] =	stream.linear.scatter [tilespmem:s13], [sflag:$0x3], $0x100, $0x38;
	[tilespmem:$0x13800] =	vst v63  }
0x5c: {  	s0 =	simm.s32 $0x200  }
0x5d: {  	[tilespmem:s17], [sflag:$0x1] =	stream.indirect.gather [hbm4b:s4+s16], $0x40, s0, s16, $0xb8;
	[tilespmem:$0x13800] =	vst v63  }
0x5e: {  	s13 =	simm.s32 $0x280  }
0x5f: {  	[tilespmem:s18], [sflag:$0x1] =	stream.indirect.gather [hbm4b:s4+s16], $0x40, s13, s16, $0xb8;
	[tilespmem:$0x13800] =	vst v63  }
0x60: {  	_ =	swait.ge [sflag:s26], $0x2000  }
0x61: {  	[sflag:s26] =	ssyncset.done $0x0  }
0x62: {  	[sflag:s26] =	ssyncadd.s32 $0xFFFFE000  }
0x63: {  	s14 =	simm.s32 $0x1;
	_ =	swait.ge [sflag:s26], $0x2000  }
0x64: {  	s7 =	simm.s32 $0x0;
	v4 =	vmov s14;
	[sflag:s26] =	ssyncset.done $0x0  }
0x65: {  	s19 =	simm.s32 $0x7470;
	v5 =	vmov s7;
	v8 =	vand.u32 $0xFF, v4;
	[sflag:s26] =	ssyncadd.s32 $0xFFFFE000  }
0x66: {  	v11 =	vand.u32 $0xFE, v5;
	v5 =	vadd.s32 v0, v8;
	v4 =	vld [tilespmem:s19+$0xFFFFFFD0]  }
0x67: {  	v7 =	vadd.s32 v0, v11;
	v6 =	vld [tilespmem:s19+$0xFFFFFF90];
	_ =	sdelay $0x3  }
0x68: {  	s21 =	simm.s32 $0x3;
	[tilespmem:v5+s28+$0x0] =	vst.idx.msk $0xffff, v4  }
0x69: {  	s13 =	simm.s32 $0x2;
	v4 =	vmov s21;
	[tilespmem:v7+s28+$0x0] =	vst.idx.msk $0xffff, v6;
	v7 =	vadd.s32 v1, v8;
	v6 =	vld [tilespmem:s19+$0xFFFFFFE0]  }
0x6a: {  	s14 =	simm.s32 $0x74F0;
	v10 =	vadd.s32 v1, v11;
	v5 =	vmov s13;
	v4 =	vand.u32 $0xFF, v4;
	v9 =	vld [tilespmem:s19+$0xFFFFFFA0]  }
0x6b: {  	v12 =	vld [tilespmem:s14+$0xFFFFFFD0];
	v5 =	vand.u32 $0xFE, v5;
	v13 =	vadd.s32 v0, v4  }
0x6c: {  	v14 =	vld [tilespmem:s14+$0xFFFFFF90];
	v15 =	vadd.s32 v0, v5;
	_ =	sdelay $0x1  }
0x6d: {  	[tilespmem:v7+s28+$0x0] =	vst.idx.msk $0xffff, v6  }
0x6e: {  	[tilespmem:v10+s28+$0x0] =	vst.idx.msk $0xffff, v9;
	v9 =	vadd.s32 v2, v8;
	v7 =	vld [tilespmem:s19+$0xFFFFFFF0]  }
0x6f: {  	[tilespmem:v13+s28+$0x0] =	vst.idx.msk $0xffff, v12;
	v10 =	vld [tilespmem:s19+$0xFFFFFFB0];
	v12 =	vadd.s32 v2, v11  }
0x70: {  	s25 =	simm.s32 $0x5;
	[tilespmem:v15+s28+$0x0] =	vst.idx.msk $0xffff, v14;
	v14 =	vadd.s32 v1, v4;
	v13 =	vld [tilespmem:s14+$0xFFFFFFE0]  }
0x71: {  	s31 =	simm.s32 $0x4;
	v6 =	vmov s25  }
0x72: {  	v17 =	vmov s31;
	s21 =	simm.s32 $0x7570;
	v18 =	vadd.s32 v1, v5;
	v6 =	vand.u32 $0xFF, v6;
	v15 =	vld [tilespmem:s14+$0xFFFFFFA0]  }
0x73: {  	v19 =	vld [tilespmem:s21+$0xFFFFFFD0];
	v20 =	vadd.s32 v0, v6;
	[tilespmem:v9+s28+$0x0] =	vst.idx.msk $0xffff, v7;
	v7 =	vand.u32 $0xFE, v17  }
0x74: {  	v16 =	vld [tilespmem:s21+$0xFFFFFF90];
	[tilespmem:v12+s28+$0x0] =	vst.idx.msk $0xffff, v10;
	v17 =	vadd.s32 v0, v7  }
0x75: {  	v9 =	vld [tilespmem:s19+$0x0];
	[tilespmem:v14+s28+$0x0] =	vst.idx.msk $0xffff, v13;
	v14 =	vadd.s32 v3, v8  }
0x76: {  	v12 =	vadd.s32 v3, v11;
	v10 =	vld [tilespmem:s19+$0xFFFFFFC0]  }
0x77: {  	s0 =	simm.s32 $0x8;
	v11 =	vadd.s32 v2, v4;
	[tilespmem:v18+s28+$0x0] =	vst.idx.msk $0xffff, v15;
	v8 =	vld [tilespmem:s14+$0xFFFFFFF0]  }
0x78: {  	s13 =	simm.s32 $0x7;
	s25 =	simm.s32 $0x6;
	[tilespmem:v20+s28+$0x0] =	vst.idx.msk $0xffff, v19;
	v15 =	vadd.s32 v2, v5;
	s19 =	simm.s32 $0x7570;
	v13 =	vld [tilespmem:s14+$0xFFFFFFB0]  }
.LBB2_6:
0x79: {  	p0 =	slt.u32 s0, $0xFE;
	v18 =	vmov s13;
	[tilespmem:v17+s28+$0x0] =	vst.idx.msk $0xffff, v16;
	v19 =	vld [tilespmem:s21+$0xFFFFFFE0];
	v20 =	vadd.s32 v1, v6  }
0x7a: {  	v16 =	vmov s25;
	v22 =	vadd.s32 v1, v7;
	s21 =	sadd.s32 $0x80, s21;
	s25 =	smov.u32 s0;
	v18 =	vand.u32 $0xFF, v18;
	v21 =	vld [tilespmem:s19+$0xFFFFFFA0];
	[tilespmem:v14+s28+$0x0] =	vst.idx.msk $0xffff, v9  }
0x7b: {  	v23 =	vand.u32 $0xFE, v16;
	v24 =	vld [tilespmem:s21+$0xFFFFFFD0];
	v25 =	vadd.s32 v0, v18;
	[tilespmem:v12+s28+$0x0] =	vst.idx.msk $0xffff, v10  }
.Ltmp2:
0x7c: {  	v17 =	vadd.s32 v0, v23;
	v16 =	vld [tilespmem:s21+$0xFFFFFF90];
	[tilespmem:v11+s28+$0x0] =	vst.idx.msk $0xffff, v8;
	(pc) =	sbr.rel @p0 .LBB2_6-.Ltmp2, $4  }
0x7d: {  	v14 =	vadd.s32 v3, v4;
	v4 =	vmov v6;
	v6 =	vmov v18;
	[tilespmem:v15+s28+$0x0] =	vst.idx.msk $0xffff, v13;
	v9 =	vld [tilespmem:s14+$0x0]  }
0x7e: {  	v12 =	vadd.s32 v3, v5;
	v5 =	vmov v7;
	v7 =	vmov v23;
	[tilespmem:v20+s28+$0x0] =	vst.idx.msk $0xffff, v19;
	v10 =	vld [tilespmem:s14+$0xFFFFFFC0];
	s14 =	smov.u32 s19;
	s19 =	smov.u32 s21  }
0x7f: {  	v11 =	vadd.s32 v2, v4;
	[tilespmem:v22+s28+$0x0] =	vst.idx.msk $0xffff, v21;
	v8 =	vld [tilespmem:s14+$0xFFFFFFF0]  }
0x80: {  	s0 =	sadd.s32 $0x2, s0;
	s13 =	sadd.s32 $0x1, s25;
	v15 =	vadd.s32 v2, v5;
	[tilespmem:v25+s28+$0x0] =	vst.idx.msk $0xffff, v24;
	v13 =	vld [tilespmem:s14+$0xFFFFFFB0]  }
0x81: {  	v18 =	vmov s13  }
0x82: {  	v19 =	vmov s25;
	s0 =	sadd.s32 $0x80, s21;
	v18 =	vand.u32 $0xFF, v18  }
0x83: {  	v19 =	vand.u32 $0xFE, v19;
	v20 =	vld [tilespmem:s0+$0xFFFFFFD0];
	v21 =	vadd.s32 v0, v18  }
0x84: {  	v22 =	vld [tilespmem:s0+$0xFFFFFF90];
	v23 =	vadd.s32 v0, v19;
	_ =	sdelay $0x2  }
0x85: {  	[tilespmem:v17+s28+$0x0] =	vst.idx.msk $0xffff, v16;
	v41 =	vld [tilespmem:s21+$0xFFFFFFE0];
	v42 =	vadd.s32 v1, v6  }
0x86: {  	v44 =	vadd.s32 v1, v7;
	v43 =	vld [tilespmem:s19+$0xFFFFFFA0];
	[tilespmem:v21+s28+$0x0] =	vst.idx.msk $0xffff, v20  }
0x87: {  	v46 =	vadd.s32 v1, v18;
	[tilespmem:v23+s28+$0x0] =	vst.idx.msk $0xffff, v22;
	v45 =	vld [tilespmem:s0+$0xFFFFFFE0]  }
0x88: {  	[tilespmem:v14+s28+$0x0] =	vst.idx.msk $0xffff, v9;
	v48 =	vadd.s32 v1, v19;
	v47 =	vld [tilespmem:s0+$0xFFFFFFA0]  }
0x89: {  	[tilespmem:v12+s28+$0x0] =	vst.idx.msk $0xffff, v10  }
0x8a: {  	[tilespmem:v42+s28+$0x0] =	vst.idx.msk $0xffff, v41  }
0x8b: {  	v50 =	vadd.s32 v2, v6;
	[tilespmem:v44+s28+$0x0] =	vst.idx.msk $0xffff, v43;
	v49 =	vld [tilespmem:s19+$0xFFFFFFF0]  }
0x8c: {  	v52 =	vadd.s32 v2, v7;
	v51 =	vld [tilespmem:s19+$0xFFFFFFB0];
	[tilespmem:v46+s28+$0x0] =	vst.idx.msk $0xffff, v45  }
0x8d: {  	v54 =	vadd.s32 v2, v18;
	[tilespmem:v48+s28+$0x0] =	vst.idx.msk $0xffff, v47;
	v53 =	vld [tilespmem:s0+$0xFFFFFFF0]  }
0x8e: {  	v56 =	vadd.s32 v2, v19;
	[tilespmem:v11+s28+$0x0] =	vst.idx.msk $0xffff, v8;
	v55 =	vld [tilespmem:s0+$0xFFFFFFB0]  }
0x8f: {  	v4 =	vadd.s32 v3, v4;
	[tilespmem:v15+s28+$0x0] =	vst.idx.msk $0xffff, v13;
	v57 =	vld [tilespmem:s14+$0x0]  }
0x90: {  	v5 =	vadd.s32 v3, v5;
	v15 =	vld [tilespmem:s14+$0xFFFFFFC0];
	[tilespmem:v50+s28+$0x0] =	vst.idx.msk $0xffff, v49  }
0x91: {  	v58 =	vadd.s32 v3, v6;
	[tilespmem:v52+s28+$0x0] =	vst.idx.msk $0xffff, v51;
	v10 =	vld [tilespmem:s19+$0x0]  }
0x92: {  	v60 =	vadd.s32 v3, v7;
	v59 =	vld [tilespmem:s19+$0xFFFFFFC0];
	[tilespmem:v54+s28+$0x0] =	vst.idx.msk $0xffff, v53  }
0x93: {  	v62 =	vadd.s32 v3, v18;
	[tilespmem:v56+s28+$0x0] =	vst.idx.msk $0xffff, v55;
	v61 =	vld [tilespmem:s0+$0x0]  }
0x94: {  	v63 =	vadd.s32 v3, v19;
	[tilespmem:v4+s28+$0x0] =	vst.idx.msk $0xffff, v57;
	v4 =	vld [tilespmem:s0+$0xFFFFFFC0]  }
0x95: {  	[tilespmem:v5+s28+$0x0] =	vst.idx.msk $0xffff, v15  }
0x96: {  	[tilespmem:v58+s28+$0x0] =	vst.idx.msk $0xffff, v10  }
0x97: {  	[tilespmem:v60+s28+$0x0] =	vst.idx.msk $0xffff, v59  }
0x98: {  	[tilespmem:v62+s28+$0x0] =	vst.idx.msk $0xffff, v61  }
0x99: {  	s7 =	smov.u32 s9;
	s0 =	simm.s32 $0x0;
	[tilespmem:v63+s28+$0x0] =	vst.idx.msk $0xffff, v4  }
.LBB2_8:
0x9a: {  	p0 =	seq.s32 s0, $0x103E0  }
.Ltmp3:
0x9b: {  	_ = 	snop;
	(pc) =	sbr.rel @!p0 .LBB2_8-.Ltmp3, $4  }
0x9c: {  	s13 =	sshra.s32 s0, $0x2  }
0x9d: {  	s13 =	sadd.s32 $0xF600, s13  }
0x9e: {  	[hbm4b:s7+s2] =	stream.linear.scatter [tilespmem:s13], [sflag:$0x4], $0x100, $0x38;
	[tilespmem:$0x13800] =	vst v63  }
0x9f: {  	s0 =	sadd.s32 $0x420, s0;
	s7 =	sadd.s32 $0x800, s7  }
0xa0: {  	s14 =	simm.s32 $0x1  }
.LBB2_11:
0xa1: {  	_ =	swait.ge [sflag:s29], $0x4000;
	s0 =	sshll.u32 s14, $0x9  }
0xa2: {  	[sflag:s29] =	ssyncset.done $0x0;
	s0 =	sand.u32 $0x3FFFFE00, s0  }
0xa3: {  	[sflag:s29] =	ssyncadd.s32 $0xFFFFC000;
	s7 =	sor.u32 $0x100, s0  }
0xa4: {  	[tilespmem:s20], [sflag:$0x2] =	stream.indirect.gather [hbm4b:s4+s16], $0x40, s7, s16, $0xb8;
	[tilespmem:$0x13800] =	vst v63  }
0xa5: {  	s0 =	sor.u32 $0x180, s0  }
0xa6: {  	[tilespmem:s22], [sflag:$0x2] =	stream.indirect.gather [hbm4b:s4+s16], $0x40, s0, s16, $0xb8;
	[tilespmem:$0x13800] =	vst v63  }
0xa7: {  	_ =	swait.ge [sflag:s23], $0x2000  }
0xa8: {  	[sflag:s23] =	ssyncset.done $0x0  }
0xa9: {  	[sflag:s23] =	ssyncadd.s32 $0xFFFFE000  }
0xaa: {  	s19 =	simm.s32 $0x1;
	_ =	swait.ge [sflag:s23], $0x2000  }
0xab: {  	s21 =	simm.s32 $0x0;
	v4 =	vmov s19;
	[sflag:s23] =	ssyncset.done $0x0  }
0xac: {  	v5 =	vmov s21;
	v8 =	vand.u32 $0xFF, v4;
	s0 =	simm.s32 $0x3440;
	[sflag:s23] =	ssyncadd.s32 $0xFFFFE000  }
0xad: {  	v11 =	vand.u32 $0xFE, v5;
	v5 =	vadd.s32 v0, v8;
	v4 =	vld [tilespmem:s0+$0x0]  }
0xae: {  	v7 =	vadd.s32 v0, v11;
	v6 =	vld [tilespmem:s0+$0xFFFFFFC0];
	_ =	sdelay $0x3  }
0xaf: {  	s25 =	simm.s32 $0x3;
	[tilespmem:v5+s24+$0x0] =	vst.idx.msk $0xffff, v4  }
0xb0: {  	s13 =	simm.s32 $0x2;
	v4 =	vmov s25;
	[tilespmem:v7+s24+$0x0] =	vst.idx.msk $0xffff, v6;
	v7 =	vadd.s32 v1, v8;
	v6 =	vld [tilespmem:s0+$0x10]  }
0xb1: {  	s19 =	simm.s32 $0x34C0;
	v10 =	vadd.s32 v1, v11;
	v5 =	vmov s13;
	v4 =	vand.u32 $0xFF, v4;
	v9 =	vld [tilespmem:s0+$0xFFFFFFD0]  }
0xb2: {  	v12 =	vld [tilespmem:s19+$0x0];
	v5 =	vand.u32 $0xFE, v5;
	v13 =	vadd.s32 v0, v4  }
0xb3: {  	v14 =	vld [tilespmem:s19+$0xFFFFFFC0];
	v15 =	vadd.s32 v0, v5;
	_ =	sdelay $0x1  }
0xb4: {  	[tilespmem:v7+s24+$0x0] =	vst.idx.msk $0xffff, v6  }
0xb5: {  	[tilespmem:v10+s24+$0x0] =	vst.idx.msk $0xffff, v9;
	v9 =	vadd.s32 v2, v8;
	v7 =	vld [tilespmem:s0+$0x20]  }
0xb6: {  	[tilespmem:v13+s24+$0x0] =	vst.idx.msk $0xffff, v12;
	v10 =	vld [tilespmem:s0+$0xFFFFFFE0];
	v12 =	vadd.s32 v2, v11  }
0xb7: {  	s13 =	simm.s32 $0x5;
	[tilespmem:v15+s24+$0x0] =	vst.idx.msk $0xffff, v14;
	v14 =	vadd.s32 v1, v4;
	v13 =	vld [tilespmem:s19+$0x10]  }
0xb8: {  	s21 =	simm.s32 $0x4;
	v6 =	vmov s13  }
0xb9: {  	v17 =	vmov s21;
	s25 =	simm.s32 $0x3540;
	v18 =	vadd.s32 v1, v5;
	v6 =	vand.u32 $0xFF, v6;
	v15 =	vld [tilespmem:s19+$0xFFFFFFD0]  }
0xba: {  	v19 =	vld [tilespmem:s25+$0x0];
	v20 =	vadd.s32 v0, v6;
	[tilespmem:v9+s24+$0x0] =	vst.idx.msk $0xffff, v7;
	v7 =	vand.u32 $0xFE, v17  }
0xbb: {  	v16 =	vld [tilespmem:s25+$0xFFFFFFC0];
	[tilespmem:v12+s24+$0x0] =	vst.idx.msk $0xffff, v10;
	v17 =	vadd.s32 v0, v7  }
0xbc: {  	v9 =	vld [tilespmem:s0+$0x30];
	[tilespmem:v14+s24+$0x0] =	vst.idx.msk $0xffff, v13;
	v14 =	vadd.s32 v3, v8  }
0xbd: {  	v12 =	vadd.s32 v3, v11;
	v10 =	vld [tilespmem:s0+$0xFFFFFFF0]  }
0xbe: {  	s31 =	simm.s32 $0x6;
	v11 =	vadd.s32 v2, v4;
	[tilespmem:v18+s24+$0x0] =	vst.idx.msk $0xffff, v15;
	v8 =	vld [tilespmem:s19+$0x20]  }
0xbf: {  	s21 =	simm.s32 $0x3540;
	s13 =	simm.s32 $0x7;
	s0 =	simm.s32 $0x8;
	[tilespmem:v20+s24+$0x0] =	vst.idx.msk $0xffff, v19;
	v15 =	vadd.s32 v2, v5;
	v13 =	vld [tilespmem:s19+$0xFFFFFFE0]  }
.LBB2_12:
0xc0: {  	p0 =	slt.u32 s0, $0xFE;
	v18 =	vmov s13;
	[tilespmem:v17+s24+$0x0] =	vst.idx.msk $0xffff, v16;
	v19 =	vld [tilespmem:s25+$0x10];
	v20 =	vadd.s32 v1, v6  }
0xc1: {  	v16 =	vmov s31;
	v22 =	vadd.s32 v1, v7;
	s25 =	sadd.s32 $0x80, s25;
	s31 =	smov.u32 s0;
	v18 =	vand.u32 $0xFF, v18;
	v21 =	vld [tilespmem:s21+$0xFFFFFFD0];
	[tilespmem:v14+s24+$0x0] =	vst.idx.msk $0xffff, v9  }
0xc2: {  	v23 =	vand.u32 $0xFE, v16;
	v24 =	vld [tilespmem:s25+$0x0];
	v25 =	vadd.s32 v0, v18;
	[tilespmem:v12+s24+$0x0] =	vst.idx.msk $0xffff, v10  }
.Ltmp4:
0xc3: {  	v17 =	vadd.s32 v0, v23;
	v16 =	vld [tilespmem:s25+$0xFFFFFFC0];
	[tilespmem:v11+s24+$0x0] =	vst.idx.msk $0xffff, v8;
	(pc) =	sbr.rel @p0 .LBB2_12-.Ltmp4, $4  }
0xc4: {  	v14 =	vadd.s32 v3, v4;
	v4 =	vmov v6;
	v6 =	vmov v18;
	[tilespmem:v15+s24+$0x0] =	vst.idx.msk $0xffff, v13;
	v9 =	vld [tilespmem:s19+$0x30]  }
0xc5: {  	v12 =	vadd.s32 v3, v5;
	v5 =	vmov v7;
	v7 =	vmov v23;
	[tilespmem:v20+s24+$0x0] =	vst.idx.msk $0xffff, v19;
	v10 =	vld [tilespmem:s19+$0xFFFFFFF0];
	s19 =	smov.u32 s21;
	s21 =	smov.u32 s25  }
0xc6: {  	v11 =	vadd.s32 v2, v4;
	[tilespmem:v22+s24+$0x0] =	vst.idx.msk $0xffff, v21;
	v8 =	vld [tilespmem:s19+$0x20]  }
0xc7: {  	s0 =	sadd.s32 $0x2, s0;
	s13 =	sadd.s32 $0x1, s31;
	v15 =	vadd.s32 v2, v5;
	[tilespmem:v25+s24+$0x0] =	vst.idx.msk $0xffff, v24;
	v13 =	vld [tilespmem:s19+$0xFFFFFFE0]  }
0xc8: {  	v18 =	vmov s13  }
0xc9: {  	v19 =	vmov s31;
	s0 =	sadd.s32 $0x80, s25;
	v18 =	vand.u32 $0xFF, v18  }
0xca: {  	v19 =	vand.u32 $0xFE, v19;
	v20 =	vld [tilespmem:s0+$0x0];
	v21 =	vadd.s32 v0, v18  }
0xcb: {  	v22 =	vld [tilespmem:s0+$0xFFFFFFC0];
	v23 =	vadd.s32 v0, v19;
	_ =	sdelay $0x2  }
0xcc: {  	[tilespmem:v17+s24+$0x0] =	vst.idx.msk $0xffff, v16;
	v41 =	vld [tilespmem:s25+$0x10];
	v42 =	vadd.s32 v1, v6  }
0xcd: {  	v44 =	vadd.s32 v1, v7;
	v43 =	vld [tilespmem:s21+$0xFFFFFFD0];
	[tilespmem:v21+s24+$0x0] =	vst.idx.msk $0xffff, v20  }
0xce: {  	v46 =	vadd.s32 v1, v18;
	[tilespmem:v23+s24+$0x0] =	vst.idx.msk $0xffff, v22;
	v45 =	vld [tilespmem:s0+$0x10]  }
0xcf: {  	[tilespmem:v14+s24+$0x0] =	vst.idx.msk $0xffff, v9;
	v48 =	vadd.s32 v1, v19;
	v47 =	vld [tilespmem:s0+$0xFFFFFFD0]  }
0xd0: {  	[tilespmem:v12+s24+$0x0] =	vst.idx.msk $0xffff, v10  }
0xd1: {  	[tilespmem:v42+s24+$0x0] =	vst.idx.msk $0xffff, v41  }
0xd2: {  	v50 =	vadd.s32 v2, v6;
	[tilespmem:v44+s24+$0x0] =	vst.idx.msk $0xffff, v43;
	v49 =	vld [tilespmem:s21+$0x20]  }
0xd3: {  	v52 =	vadd.s32 v2, v7;
	v51 =	vld [tilespmem:s21+$0xFFFFFFE0];
	[tilespmem:v46+s24+$0x0] =	vst.idx.msk $0xffff, v45  }
0xd4: {  	v54 =	vadd.s32 v2, v18;
	[tilespmem:v48+s24+$0x0] =	vst.idx.msk $0xffff, v47;
	v53 =	vld [tilespmem:s0+$0x20]  }
0xd5: {  	v56 =	vadd.s32 v2, v19;
	[tilespmem:v11+s24+$0x0] =	vst.idx.msk $0xffff, v8;
	v55 =	vld [tilespmem:s0+$0xFFFFFFE0]  }
0xd6: {  	v4 =	vadd.s32 v3, v4;
	[tilespmem:v15+s24+$0x0] =	vst.idx.msk $0xffff, v13;
	v57 =	vld [tilespmem:s19+$0x30]  }
0xd7: {  	v5 =	vadd.s32 v3, v5;
	v15 =	vld [tilespmem:s19+$0xFFFFFFF0];
	[tilespmem:v50+s24+$0x0] =	vst.idx.msk $0xffff, v49  }
0xd8: {  	v58 =	vadd.s32 v3, v6;
	[tilespmem:v52+s24+$0x0] =	vst.idx.msk $0xffff, v51;
	v10 =	vld [tilespmem:s21+$0x30]  }
0xd9: {  	v60 =	vadd.s32 v3, v7;
	v59 =	vld [tilespmem:s21+$0xFFFFFFF0];
	[tilespmem:v54+s24+$0x0] =	vst.idx.msk $0xffff, v53  }
0xda: {  	v62 =	vadd.s32 v3, v18;
	[tilespmem:v56+s24+$0x0] =	vst.idx.msk $0xffff, v55;
	v61 =	vld [tilespmem:s0+$0x30]  }
0xdb: {  	v63 =	vadd.s32 v3, v19;
	[tilespmem:v4+s24+$0x0] =	vst.idx.msk $0xffff, v57;
	v4 =	vld [tilespmem:s0+$0xFFFFFFF0]  }
0xdc: {  	[tilespmem:v5+s24+$0x0] =	vst.idx.msk $0xffff, v15  }
0xdd: {  	[tilespmem:v58+s24+$0x0] =	vst.idx.msk $0xffff, v10  }
0xde: {  	[tilespmem:v60+s24+$0x0] =	vst.idx.msk $0xffff, v59  }
0xdf: {  	[tilespmem:v62+s24+$0x0] =	vst.idx.msk $0xffff, v61  }
0xe0: {  	s19 =	sshll.u32 s14, $0x14;
	[tilespmem:v63+s24+$0x0] =	vst.idx.msk $0xffff, v4  }
0xe1: {  	s31 =	sor.u32 s3, s19;
	_ =	swait.ge [sflag:s30], $0x4000  }
0xe2: {  	s0 =	sshrl.u32 s31, $0x3;
	[sflag:s30] =	ssyncset.done $0x0  }
0xe3: {  	s7 =	simm.s32 $0xB400;
	s0 =	sadd.s32 s5, s0;
	[sflag:s30] =	ssyncadd.s32 $0xFFFFC000  }
0xe4: {  	[hbm4b:s0+s2] =	stream.linear.scatter [tilespmem:s7], [sflag:$0x3], $0x100, $0x38;
	[tilespmem:$0x13800] =	vst v63  }
0xe5: {  	s7 =	simm.s32 $0x420  }
.LBB2_14:
0xe6: {  	p0 =	sne.s32 s7, $0x103E0  }
.Ltmp5:
0xe7: {  	_ = 	snop;
	(pc) =	sbr.rel @p0 .LBB2_14-.Ltmp5, $4  }
0xe8: {  	_ = 	snop  }
0xe9: {  	s13 =	sshra.s32 s7, $0x2;
	s7 =	sadd.s32 $0x420, s7  }
0xea: {  	s0 =	sadd.s32 $0x800, s0;
	s13 =	sadd.s32 $0xB400, s13  }
0xeb: {  	[hbm4b:s0+s2] =	stream.linear.scatter [tilespmem:s13], [sflag:$0x3], $0x100, $0x38;
	[tilespmem:$0x13800] =	vst v63  }
0xec: {  	s14 =	sadd.s32 $0x1, s14  }
0xed: {  	s0 =	sshll.u32 s14, $0x9  }
0xee: {  	s0 =	sand.u32 $0x3FFFFE00, s0  }
0xef: {  	[tilespmem:s17], [sflag:$0x1] =	stream.indirect.gather [hbm4b:s4+s16], $0x40, s0, s16, $0xb8;
	[tilespmem:$0x13800] =	vst v63  }
0xf0: {  	s0 =	sor.u32 $0x80, s0  }
0xf1: {  	[tilespmem:s18], [sflag:$0x1] =	stream.indirect.gather [hbm4b:s4+s16], $0x40, s0, s16, $0xb8;
	[tilespmem:$0x13800] =	vst v63  }
0xf2: {  	_ =	swait.ge [sflag:s26], $0x2000  }
0xf3: {  	[sflag:s26] =	ssyncset.done $0x0  }
0xf4: {  	[sflag:s26] =	ssyncadd.s32 $0xFFFFE000  }
0xf5: {  	s21 =	simm.s32 $0x1;
	_ =	swait.ge [sflag:s26], $0x2000  }
0xf6: {  	s7 =	simm.s32 $0x0;
	v4 =	vmov s21;
	[sflag:s26] =	ssyncset.done $0x0  }
0xf7: {  	v5 =	vmov s7;
	v8 =	vand.u32 $0xFF, v4;
	s0 =	simm.s32 $0x7470;
	[sflag:s26] =	ssyncadd.s32 $0xFFFFE000  }
0xf8: {  	v11 =	vand.u32 $0xFE, v5;
	v5 =	vadd.s32 v0, v8;
	v4 =	vld [tilespmem:s0+$0xFFFFFFD0]  }
0xf9: {  	v7 =	vadd.s32 v0, v11;
	v6 =	vld [tilespmem:s0+$0xFFFFFF90];
	_ =	sdelay $0x3  }
0xfa: {  	s25 =	simm.s32 $0x3;
	[tilespmem:v5+s28+$0x0] =	vst.idx.msk $0xffff, v4  }
0xfb: {  	s13 =	simm.s32 $0x2;
	v4 =	vmov s25;
	[tilespmem:v7+s28+$0x0] =	vst.idx.msk $0xffff, v6;
	v7 =	vadd.s32 v1, v8;
	v6 =	vld [tilespmem:s0+$0xFFFFFFE0]  }
0xfc: {  	s21 =	simm.s32 $0x74F0;
	v10 =	vadd.s32 v1, v11;
	v5 =	vmov s13;
	v4 =	vand.u32 $0xFF, v4;
	v9 =	vld [tilespmem:s0+$0xFFFFFFA0]  }
0xfd: {  	v12 =	vld [tilespmem:s21+$0xFFFFFFD0];
	v5 =	vand.u32 $0xFE, v5;
	v13 =	vadd.s32 v0, v4  }
0xfe: {  	v14 =	vld [tilespmem:s21+$0xFFFFFF90];
	v15 =	vadd.s32 v0, v5;
	_ =	sdelay $0x1  }
0xff: {  	[tilespmem:v7+s28+$0x0] =	vst.idx.msk $0xffff, v6  }
0x100: {  	[tilespmem:v10+s28+$0x0] =	vst.idx.msk $0xffff, v9;
	v9 =	vadd.s32 v2, v8;
	v7 =	vld [tilespmem:s0+$0xFFFFFFF0]  }
0x101: {  	[tilespmem:v13+s28+$0x0] =	vst.idx.msk $0xffff, v12;
	v10 =	vld [tilespmem:s0+$0xFFFFFFB0];
	v12 =	vadd.s32 v2, v11  }
0x102: {  	s13 =	simm.s32 $0x5;
	[tilespmem:v15+s28+$0x0] =	vst.idx.msk $0xffff, v14;
	v14 =	vadd.s32 v1, v4;
	v13 =	vld [tilespmem:s21+$0xFFFFFFE0]  }
0x103: {  	s25 =	simm.s32 $0x4;
	v6 =	vmov s13  }
0x104: {  	s31 =	simm.s32 $0x7570;
	v17 =	vmov s25;
	v18 =	vadd.s32 v1, v5;
	v6 =	vand.u32 $0xFF, v6;
	v15 =	vld [tilespmem:s21+$0xFFFFFFA0]  }
0x105: {  	v19 =	vld [tilespmem:s31+$0xFFFFFFD0];
	v20 =	vadd.s32 v0, v6;
	[tilespmem:v9+s28+$0x0] =	vst.idx.msk $0xffff, v7;
	v7 =	vand.u32 $0xFE, v17  }
0x106: {  	v16 =	vld [tilespmem:s31+$0xFFFFFF90];
	[tilespmem:v12+s28+$0x0] =	vst.idx.msk $0xffff, v10;
	v17 =	vadd.s32 v0, v7  }
0x107: {  	v9 =	vld [tilespmem:s0+$0x0];
	[tilespmem:v14+s28+$0x0] =	vst.idx.msk $0xffff, v13;
	v14 =	vadd.s32 v3, v8  }
0x108: {  	v12 =	vadd.s32 v3, v11;
	v10 =	vld [tilespmem:s0+$0xFFFFFFC0]  }
0x109: {  	s7 =	simm.s32 $0x7;
	v11 =	vadd.s32 v2, v4;
	[tilespmem:v18+s28+$0x0] =	vst.idx.msk $0xffff, v15;
	v8 =	vld [tilespmem:s21+$0xFFFFFFF0]  }
0x10a: {  	s25 =	simm.s32 $0x7570;
	s13 =	simm.s32 $0x8;
	s0 =	simm.s32 $0x6;
	[tilespmem:v20+s28+$0x0] =	vst.idx.msk $0xffff, v19;
	v15 =	vadd.s32 v2, v5;
	v13 =	vld [tilespmem:s21+$0xFFFFFFB0]  }
.LBB2_16:
0x10b: {  	p0 =	slt.u32 s13, $0xFE;
	v18 =	vmov s7;
	[tilespmem:v17+s28+$0x0] =	vst.idx.msk $0xffff, v16;
	v19 =	vld [tilespmem:s31+$0xFFFFFFE0];
	v20 =	vadd.s32 v1, v6  }
0x10c: {  	v16 =	vmov s0;
	v22 =	vadd.s32 v1, v7;
	s31 =	sadd.s32 $0x80, s31;
	s0 =	smov.u32 s13;
	v18 =	vand.u32 $0xFF, v18;
	v21 =	vld [tilespmem:s25+$0xFFFFFFA0];
	[tilespmem:v14+s28+$0x0] =	vst.idx.msk $0xffff, v9  }
0x10d: {  	v23 =	vand.u32 $0xFE, v16;
	v24 =	vld [tilespmem:s31+$0xFFFFFFD0];
	v25 =	vadd.s32 v0, v18;
	[tilespmem:v12+s28+$0x0] =	vst.idx.msk $0xffff, v10  }
.Ltmp6:
0x10e: {  	v17 =	vadd.s32 v0, v23;
	v16 =	vld [tilespmem:s31+$0xFFFFFF90];
	[tilespmem:v11+s28+$0x0] =	vst.idx.msk $0xffff, v8;
	(pc) =	sbr.rel @p0 .LBB2_16-.Ltmp6, $4  }
0x10f: {  	v14 =	vadd.s32 v3, v4;
	v4 =	vmov v6;
	v6 =	vmov v18;
	[tilespmem:v15+s28+$0x0] =	vst.idx.msk $0xffff, v13;
	v9 =	vld [tilespmem:s21+$0x0]  }
0x110: {  	v12 =	vadd.s32 v3, v5;
	v5 =	vmov v7;
	v7 =	vmov v23;
	[tilespmem:v20+s28+$0x0] =	vst.idx.msk $0xffff, v19;
	v10 =	vld [tilespmem:s21+$0xFFFFFFC0];
	s21 =	smov.u32 s25;
	s25 =	smov.u32 s31  }
0x111: {  	v11 =	vadd.s32 v2, v4;
	[tilespmem:v22+s28+$0x0] =	vst.idx.msk $0xffff, v21;
	v8 =	vld [tilespmem:s21+$0xFFFFFFF0]  }
0x112: {  	s13 =	sadd.s32 $0x2, s13;
	s7 =	sadd.s32 $0x1, s0;
	v15 =	vadd.s32 v2, v5;
	[tilespmem:v25+s28+$0x0] =	vst.idx.msk $0xffff, v24;
	v13 =	vld [tilespmem:s21+$0xFFFFFFB0]  }
0x113: {  	v18 =	vmov s7  }
0x114: {  	v19 =	vmov s0;
	s13 =	sadd.s32 $0x80, s31;
	v18 =	vand.u32 $0xFF, v18  }
0x115: {  	v19 =	vand.u32 $0xFE, v19;
	v20 =	vld [tilespmem:s13+$0xFFFFFFD0];
	v21 =	vadd.s32 v0, v18  }
0x116: {  	v22 =	vld [tilespmem:s13+$0xFFFFFF90];
	v23 =	vadd.s32 v0, v19;
	_ =	sdelay $0x2  }
0x117: {  	[tilespmem:v17+s28+$0x0] =	vst.idx.msk $0xffff, v16;
	v41 =	vld [tilespmem:s31+$0xFFFFFFE0];
	v42 =	vadd.s32 v1, v6  }
0x118: {  	v44 =	vadd.s32 v1, v7;
	v43 =	vld [tilespmem:s25+$0xFFFFFFA0];
	[tilespmem:v21+s28+$0x0] =	vst.idx.msk $0xffff, v20  }
0x119: {  	v46 =	vadd.s32 v1, v18;
	[tilespmem:v23+s28+$0x0] =	vst.idx.msk $0xffff, v22;
	v45 =	vld [tilespmem:s13+$0xFFFFFFE0]  }
0x11a: {  	[tilespmem:v14+s28+$0x0] =	vst.idx.msk $0xffff, v9;
	v48 =	vadd.s32 v1, v19;
	v47 =	vld [tilespmem:s13+$0xFFFFFFA0]  }
0x11b: {  	[tilespmem:v12+s28+$0x0] =	vst.idx.msk $0xffff, v10  }
0x11c: {  	[tilespmem:v42+s28+$0x0] =	vst.idx.msk $0xffff, v41  }
0x11d: {  	v50 =	vadd.s32 v2, v6;
	[tilespmem:v44+s28+$0x0] =	vst.idx.msk $0xffff, v43;
	v49 =	vld [tilespmem:s25+$0xFFFFFFF0]  }
0x11e: {  	v52 =	vadd.s32 v2, v7;
	v51 =	vld [tilespmem:s25+$0xFFFFFFB0];
	[tilespmem:v46+s28+$0x0] =	vst.idx.msk $0xffff, v45  }
0x11f: {  	v54 =	vadd.s32 v2, v18;
	[tilespmem:v48+s28+$0x0] =	vst.idx.msk $0xffff, v47;
	v53 =	vld [tilespmem:s13+$0xFFFFFFF0]  }
0x120: {  	v56 =	vadd.s32 v2, v19;
	[tilespmem:v11+s28+$0x0] =	vst.idx.msk $0xffff, v8;
	v55 =	vld [tilespmem:s13+$0xFFFFFFB0]  }
0x121: {  	v4 =	vadd.s32 v3, v4;
	[tilespmem:v15+s28+$0x0] =	vst.idx.msk $0xffff, v13;
	v57 =	vld [tilespmem:s21+$0x0]  }
0x122: {  	v5 =	vadd.s32 v3, v5;
	v15 =	vld [tilespmem:s21+$0xFFFFFFC0];
	[tilespmem:v50+s28+$0x0] =	vst.idx.msk $0xffff, v49  }
0x123: {  	v58 =	vadd.s32 v3, v6;
	[tilespmem:v52+s28+$0x0] =	vst.idx.msk $0xffff, v51;
	v10 =	vld [tilespmem:s25+$0x0]  }
0x124: {  	v60 =	vadd.s32 v3, v7;
	v59 =	vld [tilespmem:s25+$0xFFFFFFC0];
	[tilespmem:v54+s28+$0x0] =	vst.idx.msk $0xffff, v53  }
0x125: {  	v62 =	vadd.s32 v3, v18;
	[tilespmem:v56+s28+$0x0] =	vst.idx.msk $0xffff, v55;
	v61 =	vld [tilespmem:s13+$0x0]  }
0x126: {  	v63 =	vadd.s32 v3, v19;
	[tilespmem:v4+s28+$0x0] =	vst.idx.msk $0xffff, v57;
	v4 =	vld [tilespmem:s13+$0xFFFFFFC0]  }
0x127: {  	[tilespmem:v5+s28+$0x0] =	vst.idx.msk $0xffff, v15  }
0x128: {  	[tilespmem:v58+s28+$0x0] =	vst.idx.msk $0xffff, v10  }
0x129: {  	s25 =	sor.u32 s6, s19;
	[tilespmem:v60+s28+$0x0] =	vst.idx.msk $0xffff, v59  }
0x12a: {  	s0 =	sshrl.u32 s25, $0x3;
	[tilespmem:v62+s28+$0x0] =	vst.idx.msk $0xffff, v61  }
0x12b: {  	s31 =	simm.s32 $0xF600;
	s7 =	simm.s32 $0x420;
	s0 =	sadd.s32 s5, s0;
	[tilespmem:v63+s28+$0x0] =	vst.idx.msk $0xffff, v4  }
0x12c: {  	[hbm4b:s0+s2] =	stream.linear.scatter [tilespmem:s31], [sflag:$0x4], $0x100, $0x38;
	[tilespmem:$0x13800] =	vst v63  }
.LBB2_18:
0x12d: {  	p0 =	seq.s32 s7, $0x103E0  }
.Ltmp7:
0x12e: {  	_ = 	snop;
	(pc) =	sbr.rel @!p0 .LBB2_18-.Ltmp7, $4  }
0x12f: {  	_ = 	snop  }
0x130: {  	s13 =	sshra.s32 s7, $0x2;
	s7 =	sadd.s32 $0x420, s7  }
0x131: {  	s0 =	sadd.s32 $0x800, s0;
	s13 =	sadd.s32 $0xF600, s13  }
0x132: {  	[hbm4b:s0+s2] =	stream.linear.scatter [tilespmem:s13], [sflag:$0x4], $0x100, $0x38;
	[tilespmem:$0x13800] =	vst v63  }
0x133: {  	p0 =	seq.s32 s14, $0x19  }
.Ltmp8:
0x134: {  	_ = 	snop;
	(pc) =	sbr.rel @!p0 .LBB2_11-.Ltmp8, $1  }
0x135: {  	_ =	sdelay $0x3  }
0x136: {  	_ =	swait.ge [sflag:s29], $0x4000  }
0x137: {  	[sflag:s29] =	ssyncset.done $0x0  }
0x138: {  	s0 =	simm.s32 $0x3300;
	[sflag:s29] =	ssyncadd.s32 $0xFFFFC000  }
0x139: {  	[tilespmem:s20], [sflag:$0x2] =	stream.indirect.gather [hbm4b:s4+s16], $0x40, s0, s16, $0xb8;
	[tilespmem:$0x13800] =	vst v63  }
0x13a: {  	s13 =	simm.s32 $0x3380  }
0x13b: {  	[tilespmem:s22], [sflag:$0x2] =	stream.indirect.gather [hbm4b:s4+s16], $0x40, s13, s16, $0xb8;
	[tilespmem:$0x13800] =	vst v63  }
0x13c: {  	_ =	swait.ge [sflag:s23], $0x2000  }
0x13d: {  	[sflag:s23] =	ssyncset.done $0x0  }
0x13e: {  	[sflag:s23] =	ssyncadd.s32 $0xFFFFE000  }
0x13f: {  	s14 =	simm.s32 $0x1;
	_ =	swait.ge [sflag:s23], $0x2000  }
0x140: {  	s7 =	simm.s32 $0x0;
	v4 =	vmov s14;
	[sflag:s23] =	ssyncset.done $0x0  }
0x141: {  	s19 =	simm.s32 $0x3440;
	v5 =	vmov s7;
	v8 =	vand.u32 $0xFF, v4;
	[sflag:s23] =	ssyncadd.s32 $0xFFFFE000  }
0x142: {  	v11 =	vand.u32 $0xFE, v5;
	v5 =	vadd.s32 v0, v8;
	v4 =	vld [tilespmem:s19+$0x0]  }
0x143: {  	v7 =	vadd.s32 v0, v11;
	v6 =	vld [tilespmem:s19+$0xFFFFFFC0];
	_ =	sdelay $0x3  }
0x144: {  	s21 =	simm.s32 $0x3;
	[tilespmem:v5+s24+$0x0] =	vst.idx.msk $0xffff, v4  }
0x145: {  	s13 =	simm.s32 $0x2;
	v4 =	vmov s21;
	[tilespmem:v7+s24+$0x0] =	vst.idx.msk $0xffff, v6;
	v7 =	vadd.s32 v1, v8;
	v6 =	vld [tilespmem:s19+$0x10]  }
0x146: {  	s14 =	simm.s32 $0x34C0;
	v10 =	vadd.s32 v1, v11;
	v5 =	vmov s13;
	v4 =	vand.u32 $0xFF, v4;
	v9 =	vld [tilespmem:s19+$0xFFFFFFD0]  }
0x147: {  	v12 =	vld [tilespmem:s14+$0x0];
	v5 =	vand.u32 $0xFE, v5;
	v13 =	vadd.s32 v0, v4  }
0x148: {  	v14 =	vld [tilespmem:s14+$0xFFFFFFC0];
	v15 =	vadd.s32 v0, v5;
	_ =	sdelay $0x1  }
0x149: {  	[tilespmem:v7+s24+$0x0] =	vst.idx.msk $0xffff, v6  }
0x14a: {  	[tilespmem:v10+s24+$0x0] =	vst.idx.msk $0xffff, v9;
	v9 =	vadd.s32 v2, v8;
	v7 =	vld [tilespmem:s19+$0x20]  }
0x14b: {  	[tilespmem:v13+s24+$0x0] =	vst.idx.msk $0xffff, v12;
	v10 =	vld [tilespmem:s19+$0xFFFFFFE0];
	v12 =	vadd.s32 v2, v11  }
0x14c: {  	s25 =	simm.s32 $0x5;
	[tilespmem:v15+s24+$0x0] =	vst.idx.msk $0xffff, v14;
	v14 =	vadd.s32 v1, v4;
	v13 =	vld [tilespmem:s14+$0x10]  }
0x14d: {  	s31 =	simm.s32 $0x4;
	v6 =	vmov s25  }
0x14e: {  	v17 =	vmov s31;
	s21 =	simm.s32 $0x3540;
	v18 =	vadd.s32 v1, v5;
	v6 =	vand.u32 $0xFF, v6;
	v15 =	vld [tilespmem:s14+$0xFFFFFFD0]  }
0x14f: {  	v19 =	vld [tilespmem:s21+$0x0];
	v20 =	vadd.s32 v0, v6;
	[tilespmem:v9+s24+$0x0] =	vst.idx.msk $0xffff, v7;
	v7 =	vand.u32 $0xFE, v17  }
0x150: {  	v16 =	vld [tilespmem:s21+$0xFFFFFFC0];
	[tilespmem:v12+s24+$0x0] =	vst.idx.msk $0xffff, v10;
	v17 =	vadd.s32 v0, v7  }
0x151: {  	v9 =	vld [tilespmem:s19+$0x30];
	[tilespmem:v14+s24+$0x0] =	vst.idx.msk $0xffff, v13;
	v14 =	vadd.s32 v3, v8  }
0x152: {  	v12 =	vadd.s32 v3, v11;
	v10 =	vld [tilespmem:s19+$0xFFFFFFF0]  }
0x153: {  	s7 =	simm.s32 $0x7;
	v11 =	vadd.s32 v2, v4;
	[tilespmem:v18+s24+$0x0] =	vst.idx.msk $0xffff, v15;
	v8 =	vld [tilespmem:s14+$0x20]  }
0x154: {  	s0 =	simm.s32 $0x6;
	s13 =	simm.s32 $0x8;
	[tilespmem:v20+s24+$0x0] =	vst.idx.msk $0xffff, v19;
	v15 =	vadd.s32 v2, v5;
	s19 =	simm.s32 $0x3540;
	v13 =	vld [tilespmem:s14+$0xFFFFFFE0]  }
.LBB2_20:
0x155: {  	p0 =	slt.u32 s13, $0xFE;
	v18 =	vmov s7;
	[tilespmem:v17+s24+$0x0] =	vst.idx.msk $0xffff, v16;
	v19 =	vld [tilespmem:s21+$0x10];
	v20 =	vadd.s32 v1, v6  }
0x156: {  	v16 =	vmov s0;
	v22 =	vadd.s32 v1, v7;
	s21 =	sadd.s32 $0x80, s21;
	s0 =	smov.u32 s13;
	v18 =	vand.u32 $0xFF, v18;
	v21 =	vld [tilespmem:s19+$0xFFFFFFD0];
	[tilespmem:v14+s24+$0x0] =	vst.idx.msk $0xffff, v9  }
0x157: {  	v23 =	vand.u32 $0xFE, v16;
	v24 =	vld [tilespmem:s21+$0x0];
	v25 =	vadd.s32 v0, v18;
	[tilespmem:v12+s24+$0x0] =	vst.idx.msk $0xffff, v10  }
.Ltmp9:
0x158: {  	v17 =	vadd.s32 v0, v23;
	v16 =	vld [tilespmem:s21+$0xFFFFFFC0];
	[tilespmem:v11+s24+$0x0] =	vst.idx.msk $0xffff, v8;
	(pc) =	sbr.rel @p0 .LBB2_20-.Ltmp9, $4  }
0x159: {  	v14 =	vadd.s32 v3, v4;
	v4 =	vmov v6;
	v6 =	vmov v18;
	[tilespmem:v15+s24+$0x0] =	vst.idx.msk $0xffff, v13;
	v9 =	vld [tilespmem:s14+$0x30]  }
0x15a: {  	v12 =	vadd.s32 v3, v5;
	v5 =	vmov v7;
	v7 =	vmov v23;
	[tilespmem:v20+s24+$0x0] =	vst.idx.msk $0xffff, v19;
	v10 =	vld [tilespmem:s14+$0xFFFFFFF0];
	s14 =	smov.u32 s19;
	s19 =	smov.u32 s21  }
0x15b: {  	v11 =	vadd.s32 v2, v4;
	[tilespmem:v22+s24+$0x0] =	vst.idx.msk $0xffff, v21;
	v8 =	vld [tilespmem:s14+$0x20]  }
0x15c: {  	s13 =	sadd.s32 $0x2, s13;
	s7 =	sadd.s32 $0x1, s0;
	v15 =	vadd.s32 v2, v5;
	[tilespmem:v25+s24+$0x0] =	vst.idx.msk $0xffff, v24;
	v13 =	vld [tilespmem:s14+$0xFFFFFFE0]  }
0x15d: {  	v18 =	vmov s7  }
0x15e: {  	v19 =	vmov s0;
	s25 =	sadd.s32 $0x80, s21;
	v18 =	vand.u32 $0xFF, v18  }
0x15f: {  	v19 =	vand.u32 $0xFE, v19;
	v20 =	vld [tilespmem:s25+$0x0];
	v21 =	vadd.s32 v0, v18  }
0x160: {  	v22 =	vld [tilespmem:s25+$0xFFFFFFC0];
	v23 =	vadd.s32 v0, v19;
	_ =	sdelay $0x2  }
0x161: {  	[tilespmem:v17+s24+$0x0] =	vst.idx.msk $0xffff, v16;
	v41 =	vld [tilespmem:s21+$0x10];
	v42 =	vadd.s32 v1, v6  }
0x162: {  	v44 =	vadd.s32 v1, v7;
	v43 =	vld [tilespmem:s19+$0xFFFFFFD0];
	[tilespmem:v21+s24+$0x0] =	vst.idx.msk $0xffff, v20  }
0x163: {  	v46 =	vadd.s32 v1, v18;
	[tilespmem:v23+s24+$0x0] =	vst.idx.msk $0xffff, v22;
	v45 =	vld [tilespmem:s25+$0x10]  }
0x164: {  	[tilespmem:v14+s24+$0x0] =	vst.idx.msk $0xffff, v9;
	v48 =	vadd.s32 v1, v19;
	v47 =	vld [tilespmem:s25+$0xFFFFFFD0]  }
0x165: {  	[tilespmem:v12+s24+$0x0] =	vst.idx.msk $0xffff, v10  }
0x166: {  	[tilespmem:v42+s24+$0x0] =	vst.idx.msk $0xffff, v41  }
0x167: {  	v50 =	vadd.s32 v2, v6;
	[tilespmem:v44+s24+$0x0] =	vst.idx.msk $0xffff, v43;
	v49 =	vld [tilespmem:s19+$0x20]  }
0x168: {  	v52 =	vadd.s32 v2, v7;
	v51 =	vld [tilespmem:s19+$0xFFFFFFE0];
	[tilespmem:v46+s24+$0x0] =	vst.idx.msk $0xffff, v45  }
0x169: {  	v54 =	vadd.s32 v2, v18;
	[tilespmem:v48+s24+$0x0] =	vst.idx.msk $0xffff, v47;
	v53 =	vld [tilespmem:s25+$0x20]  }
0x16a: {  	v56 =	vadd.s32 v2, v19;
	[tilespmem:v11+s24+$0x0] =	vst.idx.msk $0xffff, v8;
	v55 =	vld [tilespmem:s25+$0xFFFFFFE0]  }
0x16b: {  	v4 =	vadd.s32 v3, v4;
	[tilespmem:v15+s24+$0x0] =	vst.idx.msk $0xffff, v13;
	v57 =	vld [tilespmem:s14+$0x30]  }
0x16c: {  	v5 =	vadd.s32 v3, v5;
	v15 =	vld [tilespmem:s14+$0xFFFFFFF0];
	[tilespmem:v50+s24+$0x0] =	vst.idx.msk $0xffff, v49  }
0x16d: {  	v58 =	vadd.s32 v3, v6;
	[tilespmem:v52+s24+$0x0] =	vst.idx.msk $0xffff, v51;
	v10 =	vld [tilespmem:s19+$0x30]  }
0x16e: {  	v60 =	vadd.s32 v3, v7;
	v59 =	vld [tilespmem:s19+$0xFFFFFFF0];
	[tilespmem:v54+s24+$0x0] =	vst.idx.msk $0xffff, v53  }
0x16f: {  	v62 =	vadd.s32 v3, v18;
	[tilespmem:v56+s24+$0x0] =	vst.idx.msk $0xffff, v55;
	v61 =	vld [tilespmem:s25+$0x30]  }
0x170: {  	v63 =	vadd.s32 v3, v19;
	[tilespmem:v4+s24+$0x0] =	vst.idx.msk $0xffff, v57;
	v4 =	vld [tilespmem:s25+$0xFFFFFFF0]  }
0x171: {  	[tilespmem:v5+s24+$0x0] =	vst.idx.msk $0xffff, v15  }
0x172: {  	[tilespmem:v58+s24+$0x0] =	vst.idx.msk $0xffff, v10  }
0x173: {  	[tilespmem:v60+s24+$0x0] =	vst.idx.msk $0xffff, v59  }
0x174: {  	[tilespmem:v62+s24+$0x0] =	vst.idx.msk $0xffff, v61  }
0x175: {  	[tilespmem:v63+s24+$0x0] =	vst.idx.msk $0xffff, v4  }
0x176: {  	_ =	swait.ge [sflag:s30], $0x4000  }
0x177: {  	s31 =	simm.s32 $0xB400;
	[sflag:s30] =	ssyncset.done $0x0  }
0x178: {  	s0 =	simm.s32 $0x420;
	s7 =	smov.u32 s10;
	[sflag:s30] =	ssyncadd.s32 $0xFFFFC000  }
0x179: {  	[hbm4b:s10+s2] =	stream.linear.scatter [tilespmem:s31], [sflag:$0x3], $0x100, $0x38;
	[tilespmem:$0x13800] =	vst v63  }
.LBB2_22:
0x17a: {  	p0 =	sne.s32 s0, $0x103E0  }
.Ltmp10:
0x17b: {  	_ = 	snop;
	(pc) =	sbr.rel @p0 .LBB2_22-.Ltmp10, $4  }
0x17c: {  	_ = 	snop  }
0x17d: {  	s13 =	sshra.s32 s0, $0x2;
	s0 =	sadd.s32 $0x420, s0  }
0x17e: {  	s7 =	sadd.s32 $0x800, s7;
	s13 =	sadd.s32 $0xB400, s13  }
0x17f: {  	[hbm4b:s7+s2] =	stream.linear.scatter [tilespmem:s13], [sflag:$0x3], $0x100, $0x38;
	[tilespmem:$0x13800] =	vst v63  }
0x180: {  	_ =	swait.ge [sflag:s26], $0x2000  }
0x181: {  	[sflag:s26] =	ssyncset.done $0x0  }
0x182: {  	[sflag:s26] =	ssyncadd.s32 $0xFFFFE000  }
0x183: {  	s0 =	simm.s32 $0x1;
	_ =	swait.ge [sflag:s26], $0x2000  }
0x184: {  	s7 =	simm.s32 $0x0;
	v4 =	vmov s0;
	[sflag:s26] =	ssyncset.done $0x0  }
0x185: {  	s19 =	simm.s32 $0x7470;
	v5 =	vmov s7;
	v8 =	vand.u32 $0xFF, v4;
	[sflag:s26] =	ssyncadd.s32 $0xFFFFE000  }
0x186: {  	v11 =	vand.u32 $0xFE, v5;
	v5 =	vadd.s32 v0, v8;
	v4 =	vld [tilespmem:s19+$0xFFFFFFD0]  }
0x187: {  	v7 =	vadd.s32 v0, v11;
	v6 =	vld [tilespmem:s19+$0xFFFFFF90];
	_ =	sdelay $0x3  }
0x188: {  	s21 =	simm.s32 $0x3;
	[tilespmem:v5+s28+$0x0] =	vst.idx.msk $0xffff, v4  }
0x189: {  	s13 =	simm.s32 $0x2;
	v4 =	vmov s21;
	[tilespmem:v7+s28+$0x0] =	vst.idx.msk $0xffff, v6;
	v7 =	vadd.s32 v1, v8;
	v6 =	vld [tilespmem:s19+$0xFFFFFFE0]  }
0x18a: {  	s14 =	simm.s32 $0x74F0;
	v10 =	vadd.s32 v1, v11;
	v5 =	vmov s13;
	v4 =	vand.u32 $0xFF, v4;
	v9 =	vld [tilespmem:s19+$0xFFFFFFA0]  }
0x18b: {  	v12 =	vld [tilespmem:s14+$0xFFFFFFD0];
	v5 =	vand.u32 $0xFE, v5;
	v13 =	vadd.s32 v0, v4  }
0x18c: {  	v14 =	vld [tilespmem:s14+$0xFFFFFF90];
	v15 =	vadd.s32 v0, v5;
	_ =	sdelay $0x1  }
0x18d: {  	[tilespmem:v7+s28+$0x0] =	vst.idx.msk $0xffff, v6  }
0x18e: {  	[tilespmem:v10+s28+$0x0] =	vst.idx.msk $0xffff, v9;
	v9 =	vadd.s32 v2, v8;
	v7 =	vld [tilespmem:s19+$0xFFFFFFF0]  }
0x18f: {  	[tilespmem:v13+s28+$0x0] =	vst.idx.msk $0xffff, v12;
	v10 =	vld [tilespmem:s19+$0xFFFFFFB0];
	v12 =	vadd.s32 v2, v11  }
0x190: {  	s25 =	simm.s32 $0x5;
	[tilespmem:v15+s28+$0x0] =	vst.idx.msk $0xffff, v14;
	v14 =	vadd.s32 v1, v4;
	v13 =	vld [tilespmem:s14+$0xFFFFFFE0]  }
0x191: {  	s31 =	simm.s32 $0x4;
	v6 =	vmov s25  }
0x192: {  	v17 =	vmov s31;
	s21 =	simm.s32 $0x7570;
	v18 =	vadd.s32 v1, v5;
	v6 =	vand.u32 $0xFF, v6;
	v15 =	vld [tilespmem:s14+$0xFFFFFFA0]  }
0x193: {  	v19 =	vld [tilespmem:s21+$0xFFFFFFD0];
	v20 =	vadd.s32 v0, v6;
	[tilespmem:v9+s28+$0x0] =	vst.idx.msk $0xffff, v7;
	v7 =	vand.u32 $0xFE, v17  }
0x194: {  	v16 =	vld [tilespmem:s21+$0xFFFFFF90];
	[tilespmem:v12+s28+$0x0] =	vst.idx.msk $0xffff, v10;
	v17 =	vadd.s32 v0, v7  }
0x195: {  	v9 =	vld [tilespmem:s19+$0x0];
	[tilespmem:v14+s28+$0x0] =	vst.idx.msk $0xffff, v13;
	v14 =	vadd.s32 v3, v8  }
0x196: {  	v12 =	vadd.s32 v3, v11;
	v10 =	vld [tilespmem:s19+$0xFFFFFFC0]  }
0x197: {  	s0 =	simm.s32 $0x6;
	v11 =	vadd.s32 v2, v4;
	[tilespmem:v18+s28+$0x0] =	vst.idx.msk $0xffff, v15;
	v8 =	vld [tilespmem:s14+$0xFFFFFFF0]  }
0x198: {  	s7 =	simm.s32 $0x7;
	s13 =	simm.s32 $0x8;
	[tilespmem:v20+s28+$0x0] =	vst.idx.msk $0xffff, v19;
	v15 =	vadd.s32 v2, v5;
	s19 =	simm.s32 $0x7570;
	v13 =	vld [tilespmem:s14+$0xFFFFFFB0]  }
.LBB2_24:
0x199: {  	p0 =	slt.u32 s13, $0xFE;
	v18 =	vmov s7;
	[tilespmem:v17+s28+$0x0] =	vst.idx.msk $0xffff, v16;
	v19 =	vld [tilespmem:s21+$0xFFFFFFE0];
	v20 =	vadd.s32 v1, v6  }
0x19a: {  	v16 =	vmov s0;
	v22 =	vadd.s32 v1, v7;
	s21 =	sadd.s32 $0x80, s21;
	s0 =	smov.u32 s13;
	v18 =	vand.u32 $0xFF, v18;
	v21 =	vld [tilespmem:s19+$0xFFFFFFA0];
	[tilespmem:v14+s28+$0x0] =	vst.idx.msk $0xffff, v9  }
0x19b: {  	v23 =	vand.u32 $0xFE, v16;
	v24 =	vld [tilespmem:s21+$0xFFFFFFD0];
	v25 =	vadd.s32 v0, v18;
	[tilespmem:v12+s28+$0x0] =	vst.idx.msk $0xffff, v10  }
.Ltmp11:
0x19c: {  	v17 =	vadd.s32 v0, v23;
	v16 =	vld [tilespmem:s21+$0xFFFFFF90];
	[tilespmem:v11+s28+$0x0] =	vst.idx.msk $0xffff, v8;
	(pc) =	sbr.rel @p0 .LBB2_24-.Ltmp11, $4  }
0x19d: {  	v14 =	vadd.s32 v3, v4;
	v4 =	vmov v6;
	v6 =	vmov v18;
	[tilespmem:v15+s28+$0x0] =	vst.idx.msk $0xffff, v13;
	v9 =	vld [tilespmem:s14+$0x0]  }
0x19e: {  	v12 =	vadd.s32 v3, v5;
	v5 =	vmov v7;
	v7 =	vmov v23;
	[tilespmem:v20+s28+$0x0] =	vst.idx.msk $0xffff, v19;
	v10 =	vld [tilespmem:s14+$0xFFFFFFC0];
	s14 =	smov.u32 s19;
	s19 =	smov.u32 s21  }
0x19f: {  	v11 =	vadd.s32 v2, v4;
	[tilespmem:v22+s28+$0x0] =	vst.idx.msk $0xffff, v21;
	v8 =	vld [tilespmem:s14+$0xFFFFFFF0]  }
0x1a0: {  	s13 =	sadd.s32 $0x2, s13;
	s7 =	sadd.s32 $0x1, s0;
	v15 =	vadd.s32 v2, v5;
	[tilespmem:v25+s28+$0x0] =	vst.idx.msk $0xffff, v24;
	v13 =	vld [tilespmem:s14+$0xFFFFFFB0]  }
0x1a1: {  	v18 =	vmov s7  }
0x1a2: {  	v19 =	vmov s0;
	s25 =	sadd.s32 $0x80, s21;
	v18 =	vand.u32 $0xFF, v18  }
0x1a3: {  	v19 =	vand.u32 $0xFE, v19;
	v20 =	vld [tilespmem:s25+$0xFFFFFFD0];
	v21 =	vadd.s32 v0, v18  }
0x1a4: {  	v22 =	vld [tilespmem:s25+$0xFFFFFF90];
	v23 =	vadd.s32 v0, v19;
	_ =	sdelay $0x2  }
0x1a5: {  	[tilespmem:v17+s28+$0x0] =	vst.idx.msk $0xffff, v16;
	v41 =	vld [tilespmem:s21+$0xFFFFFFE0];
	v42 =	vadd.s32 v1, v6  }
0x1a6: {  	v44 =	vadd.s32 v1, v7;
	v43 =	vld [tilespmem:s19+$0xFFFFFFA0];
	[tilespmem:v21+s28+$0x0] =	vst.idx.msk $0xffff, v20  }
0x1a7: {  	v46 =	vadd.s32 v1, v18;
	[tilespmem:v23+s28+$0x0] =	vst.idx.msk $0xffff, v22;
	v45 =	vld [tilespmem:s25+$0xFFFFFFE0]  }
0x1a8: {  	[tilespmem:v14+s28+$0x0] =	vst.idx.msk $0xffff, v9;
	v48 =	vadd.s32 v1, v19;
	v47 =	vld [tilespmem:s25+$0xFFFFFFA0]  }
0x1a9: {  	[tilespmem:v12+s28+$0x0] =	vst.idx.msk $0xffff, v10  }
0x1aa: {  	[tilespmem:v42+s28+$0x0] =	vst.idx.msk $0xffff, v41  }
0x1ab: {  	v50 =	vadd.s32 v2, v6;
	[tilespmem:v44+s28+$0x0] =	vst.idx.msk $0xffff, v43;
	v49 =	vld [tilespmem:s19+$0xFFFFFFF0]  }
0x1ac: {  	v52 =	vadd.s32 v2, v7;
	v51 =	vld [tilespmem:s19+$0xFFFFFFB0];
	[tilespmem:v46+s28+$0x0] =	vst.idx.msk $0xffff, v45  }
0x1ad: {  	v54 =	vadd.s32 v2, v18;
	[tilespmem:v48+s28+$0x0] =	vst.idx.msk $0xffff, v47;
	v53 =	vld [tilespmem:s25+$0xFFFFFFF0]  }
0x1ae: {  	v56 =	vadd.s32 v2, v19;
	[tilespmem:v11+s28+$0x0] =	vst.idx.msk $0xffff, v8;
	v55 =	vld [tilespmem:s25+$0xFFFFFFB0]  }
0x1af: {  	v4 =	vadd.s32 v3, v4;
	[tilespmem:v15+s28+$0x0] =	vst.idx.msk $0xffff, v13;
	v57 =	vld [tilespmem:s14+$0x0]  }
0x1b0: {  	v5 =	vadd.s32 v3, v5;
	v15 =	vld [tilespmem:s14+$0xFFFFFFC0];
	[tilespmem:v50+s28+$0x0] =	vst.idx.msk $0xffff, v49  }
0x1b1: {  	v58 =	vadd.s32 v3, v6;
	[tilespmem:v52+s28+$0x0] =	vst.idx.msk $0xffff, v51;
	v10 =	vld [tilespmem:s19+$0x0]  }
0x1b2: {  	v60 =	vadd.s32 v3, v7;
	v59 =	vld [tilespmem:s19+$0xFFFFFFC0];
	[tilespmem:v54+s28+$0x0] =	vst.idx.msk $0xffff, v53  }
0x1b3: {  	v62 =	vadd.s32 v3, v18;
	[tilespmem:v56+s28+$0x0] =	vst.idx.msk $0xffff, v55;
	v61 =	vld [tilespmem:s25+$0x0]  }
0x1b4: {  	v63 =	vadd.s32 v3, v19;
	[tilespmem:v4+s28+$0x0] =	vst.idx.msk $0xffff, v57;
	v4 =	vld [tilespmem:s25+$0xFFFFFFC0]  }
0x1b5: {  	[tilespmem:v5+s28+$0x0] =	vst.idx.msk $0xffff, v15  }
0x1b6: {  	[tilespmem:v58+s28+$0x0] =	vst.idx.msk $0xffff, v10  }
0x1b7: {  	[tilespmem:v60+s28+$0x0] =	vst.idx.msk $0xffff, v59  }
0x1b8: {  	[tilespmem:v62+s28+$0x0] =	vst.idx.msk $0xffff, v61  }
0x1b9: {  	s31 =	simm.s32 $0xF600;
	s0 =	simm.s32 $0x420;
	s7 =	smov.u32 s11;
	[tilespmem:v63+s28+$0x0] =	vst.idx.msk $0xffff, v4  }
0x1ba: {  	[hbm4b:s11+s2] =	stream.linear.scatter [tilespmem:s31], [sflag:$0x4], $0x100, $0x38;
	[tilespmem:$0x13800] =	vst v63  }
.LBB2_26:
0x1bb: {  	p0 =	sne.s32 s0, $0x103E0  }
.Ltmp12:
0x1bc: {  	_ = 	snop;
	(pc) =	sbr.rel @p0 .LBB2_26-.Ltmp12, $4  }
0x1bd: {  	_ = 	snop  }
0x1be: {  	s13 =	sshra.s32 s0, $0x2;
	s0 =	sadd.s32 $0x420, s0  }
0x1bf: {  	s7 =	sadd.s32 $0x800, s7;
	s13 =	sadd.s32 $0xF600, s13  }
0x1c0: {  	[hbm4b:s7+s2] =	stream.linear.scatter [tilespmem:s13], [sflag:$0x4], $0x100, $0x38;
	[tilespmem:$0x13800] =	vst v63  }
0x1c1: {  	s1 =	sadd.s32 $0x1, s1  }
0x1c2: {  	_ =	swait.ge [sflag:s29], $0x4000;
	p0 =	sne.s32 s1, s12  }
.Ltmp13:
0x1c3: {  	[sflag:s29] =	ssyncset.done $0x0;
	(pc) =	sbr.rel @p0 .LBB2_1-.Ltmp13, $4  }
0x1c4: {  	[sflag:s29] =	ssyncadd.s32 $0xFFFFC000  }
0x1c5: {  	_ =	swait.ge [sflag:s30], $0x4000  }
0x1c6: {  	[sflag:s30] =	ssyncset.done $0x0  }
0x1c7: {  	[sflag:s30] =	ssyncadd.s32 $0xFFFFC000  }
0x1c8: {  	_ =	sfence.sel $0x180000  }
0x1c9: {  	[bflag:$0x0] =	sbarrier.arrive $0xFFFF  }
0x1ca: {  	_ =	strace $0x90000047  }
0x1cb: {  	s0 =	stileid.u32;
	[bflag:$0x2] =	sbarrier.arrive $0xFFFF  }
0x1cc: {  	p0 =	sne.s32 s0, $0x0;
	s0 =	rddreg [dreg:$0x1]  }
0x1cd: {  	s0 =	sadd.s32 @!p0 $0x100000, s0  }
0x1ce: {  	[sflag:s0] =	ssyncadd.tile.s32 @!p0 $0x1;
	_ =	shalt  }
.Lfunc_end2:
_tile_overlayer_lowered:
.L_overlay_start_2:
0x1cf: {  	(tag) =	ssettag $0x2  }
0x1d0: {  	s0 =	rddreg [dreg:$0x0];
	s2 =	stileid.u32  }
0x1d1: {  	s1 =	rddreg [dreg:$0x1];
	p0 =	sne.s32 s2, $0x0  }
0x1d2: {  	s3 =	rddreg [dreg:$0x2];
	[bflag:$0x3] =	sbarrier.arrive $0xFFFF;
	s2 =	simm.s32 @!p0 $0x1C05  }
0x1d3: {  	[timem:s3], [sflag:s2] =	dma.local @!p0 [hbm:s0], s1  }
0x1d4: {  	s0 =	simm.s32 @!p0 $0x5  }
0x1d5: {  	_ =	swait.ge @!p0 [sflag:s0], s1  }
0x1d6: {  	s1 =	ssub.s32 @!p0 $0x0, s1;
	[sflag:s0] =	ssyncset.done @!p0 $0x0  }
0x1d7: {  	[sflag:s0] =	ssyncadd.s32 @!p0 s1  }
0x1d8: {  	[bflag:$0x3] =	sbarrier.arrive $0xFFFF  }
0x1d9: {  	_ =	shalt  }

</sc_bundles>
